<compile_context>
chip_gen: v7x
topology: tpu7x:2x2x1
jax: 0.10.2.dev20260603
libtpu: 0.0.44.dev20260713+nightly
codegen_flags: <defaults>
</compile_context>

<pallas_src>
import functools

import jax
import jax.numpy as jnp
from jax import lax
from jax.experimental import pallas as pl
from jax.experimental.pallas import tpu as pltpu
from jax.experimental.pallas import tpu_sc as plsc

_EPS = 1e-09


def _log_sc(x):
    xi = lax.bitcast_convert_type(x, jnp.int32)
    t = (xi.astype(jnp.float32) - 1064866805.0) * 8.262958405176314e-08
    for _ in range(3):
        t = t + x * jnp.exp(-t) - 1.0
    return t


def _mlp_body(x_ref, y_ref, w1_ref, b1_ref, w2_ref, b2_ref, w3_ref, b3_ref,
              es_ref, ets_ref):
    xh = x_ref[...].astype(jnp.bfloat16)
    w1h = (w1_ref[...] * 0.5).astype(jnp.bfloat16)
    a = jnp.dot(xh, w1h, preferred_element_type=jnp.float32) \
        + 0.5 * b1_ref[...]
    h = a + a * jnp.tanh(a)
    w2h = (w2_ref[...] * 0.5).astype(jnp.bfloat16)
    a = jnp.dot(h.astype(jnp.bfloat16), w2h,
                preferred_element_type=jnp.float32) + 0.5 * b2_ref[...]
    h = a + a * jnp.tanh(a)
    s = lax.dot_general(
        w3_ref[...].astype(jnp.bfloat16), h.astype(jnp.bfloat16),
        dimension_numbers=(((1,), (1,)), ((), ())),
        preferred_element_type=jnp.float32,
    ) + b3_ref[0]
    es_ref[...] = jnp.exp(s)[None]
    ets_ref[...] = (jnp.exp(y_ref[0]) * s)[None]


def _run_mlp(x, y3, W1, b1, W2, b2, W3, b3, block_m):
    n, d = x.shape
    h = W1.shape[1]
    grid = (n // block_m,)
    nb = n // block_m
    vec = pl.BlockSpec((1, 1, block_m), lambda i: (i, 0, 0))
    out3 = jax.ShapeDtypeStruct((nb, 1, block_m), jnp.float32)
    return pl.pallas_call(
        _mlp_body,
        grid=grid,
        in_specs=[
            pl.BlockSpec((block_m, d), lambda i: (i, 0)),
            vec,
            pl.BlockSpec((d, h), lambda i: (0, 0)),
            pl.BlockSpec((1, h), lambda i: (0, 0)),
            pl.BlockSpec((h, h), lambda i: (0, 0)),
            pl.BlockSpec((1, h), lambda i: (0, 0)),
            pl.BlockSpec((1, h), lambda i: (0, 0)),
            pl.BlockSpec(memory_space=pltpu.SMEM),
        ],
        out_specs=(vec, vec),
        out_shape=(out3, out3),
    )(x, y3, W1, b1.reshape(1, h), W2, b2.reshape(1, h), W3.reshape(1, h), b3)


def _sc_dent_body(y_hbm, g_hbm, dtp_hbm,
                  y_v, g_v, zero_v, dent_sh):
    cid = lax.axis_index("c")
    sid = lax.axis_index("s")
    row0 = cid * 256 + sid * 16

    pltpu.sync_copy(y_hbm.at[pl.ds(row0, 16)], y_v)
    pltpu.sync_copy(g_hbm.at[pl.ds(row0, 16)], g_v)

    def _expy_row(r, _):
        for j in range(8):
            c = pl.ds(16 * j, 16)
            y_v[r, c] = jnp.exp(y_v[r, c])
        return 0
    lax.fori_loop(0, 16, _expy_row, 0)

    @pl.when(sid == 0)
    def _zero():
        def _z(i, _):
            zero_v[pl.ds(16 * i, 16)] = jnp.zeros((16,), jnp.float32)
            return 0
        lax.fori_loop(0, 128, _z, 0)
        pltpu.sync_copy(zero_v, dent_sh)

    plsc.subcore_barrier()

    def _scat(j, _):
        pltpu.sync_copy(y_v.at[j], dent_sh.at[g_v.at[j]], add=True)
        return 0
    lax.fori_loop(0, 16, _scat, 0)

    plsc.subcore_barrier()

    @pl.when(sid == 0)
    def _out():
        pltpu.sync_copy(dent_sh, dtp_hbm.at[cid])


def _run_sc_dent(y2, g2, num_groups):
    mesh = plsc.VectorSubcoreMesh(core_axis_name="c", subcore_axis_name="s")
    f32 = jnp.float32
    kern = pl.kernel(
        _sc_dent_body,
        compiler_params=pltpu.CompilerParams(needs_layout_passes=False),
        out_type=jax.ShapeDtypeStruct((2, num_groups), f32),
        mesh=mesh,
        scratch_types=[
            pltpu.VMEM((16, 128), f32),
            pltpu.VMEM((16, 128), jnp.int32),
            pltpu.VMEM((num_groups,), f32),
            pltpu.VMEM_SHARED((num_groups,), f32),
        ],
    )
    return kern(y2, g2)


def _sc_loss_body(es_hbm, ets_hbm, g_hbm, dtp_hbm, ce_hbm, cnt_hbm,
                  es_v, ets_v, g_v, zero_v, acc_v, dent_loc, dtp_loc,
                  dens_loc, dens_sh):
    cid = lax.axis_index("c")
    sid = lax.axis_index("s")
    row0 = sid * 32

    pltpu.sync_copy(es_hbm.at[pl.ds(row0, 32)], es_v)
    pltpu.sync_copy(ets_hbm.at[pl.ds(row0, 32)], ets_v)
    pltpu.sync_copy(g_hbm.at[pl.ds(row0, 32)], g_v)
    pltpu.sync_copy(dtp_hbm, dtp_loc)

    @pl.when(sid == 0)
    def _zero():
        def _z(i, _):
            zero_v[pl.ds(16 * i, 16)] = jnp.zeros((16,), jnp.float32)
            return 0
        lax.fori_loop(0, 128, _z, 0)
        pltpu.sync_copy(zero_v, dens_sh)

    def _comb(i, _):
        c = pl.ds(16 * i, 16)
        dent_loc[c] = dtp_loc[0, c] + dtp_loc[1, c]
        return 0
    lax.fori_loop(0, 128, _comb, 0)

    plsc.subcore_barrier()

    def _scat(j, _):
        pltpu.sync_copy(es_v.at[j], dens_sh.at[g_v.at[j]], add=True)
        return 0
    lax.fori_loop(0, 32, _scat, 0)

    def _elem(r, _):
        for j in range(8):
            c = pl.ds(16 * j, 16)
            gv = g_v[r, c]
            dtv = plsc.load_gather(dent_loc, [gv])
            acc_v[...] = acc_v[...] + ets_v[r, c] / (dtv + _EPS)
        return 0
    acc_v[...] = jnp.zeros((16,), jnp.float32)

    @pl.when(cid == jnp.where(sid >= 8, 1, 0))
    def _elem_half():
        lax.fori_loop(0, 32, _elem, 0)

    plsc.subcore_barrier()

    w = cid * 16 + sid
    base = w * 64
    pltpu.sync_copy(dens_sh.at[pl.ds(base, 64)], dens_loc)
    ce = jnp.zeros((16,), jnp.float32)
    ct = jnp.zeros((16,), jnp.float32)
    for k in range(4):
        ds = dens_loc[pl.ds(16 * k, 16)]
        dt = dent_loc[pl.ds(base + 16 * k, 16)]
        nonempty = dt > 0.0
        zero16 = jnp.zeros((16,), jnp.float32)
        ce = ce + jnp.where(nonempty, _log_sc(ds + _EPS), zero16)
        ct = ct + jnp.where(nonempty, jnp.ones((16,), jnp.float32), zero16)

    acc_v[...] = ce - acc_v[...]
    pltpu.sync_copy(acc_v, ce_hbm.at[w])
    acc_v[...] = ct
    pltpu.sync_copy(acc_v, cnt_hbm.at[w])


def _run_sc_loss(es2, ets2, g2, dent_part, num_groups):
    mesh = plsc.VectorSubcoreMesh(core_axis_name="c", subcore_axis_name="s")
    f32 = jnp.float32
    kern = pl.kernel(
        _sc_loss_body,
        compiler_params=pltpu.CompilerParams(needs_layout_passes=False),
        out_type=(
            jax.ShapeDtypeStruct((32, 16), f32),
            jax.ShapeDtypeStruct((32, 16), f32),
        ),
        mesh=mesh,
        scratch_types=[
            pltpu.VMEM((32, 128), f32),
            pltpu.VMEM((32, 128), f32),
            pltpu.VMEM((32, 128), jnp.int32),
            pltpu.VMEM((num_groups,), f32),
            pltpu.VMEM((16,), f32),
            pltpu.VMEM((num_groups,), f32),
            pltpu.VMEM((2, num_groups), f32),
            pltpu.VMEM((64,), f32),
            pltpu.VMEM_SHARED((num_groups,), f32),
        ],
    )
    return kern(es2, ets2, g2, dent_part)


def kernel(x, y, g, W1, b1, W2, b2, W3, b3):
    n = x.shape[0]
    num_groups = 2048
    rows = n // 128
    block_m = 8192
    nb = n // block_m

    y2 = y.reshape(rows, 128)
    g2 = g.reshape(rows, 128)
    dent_part = _run_sc_dent(y2, g2, num_groups)
    es, ets = _run_mlp(x, y.reshape(nb, 1, block_m), W1, b1, W2, b2, W3, b3,
                       block_m)
    ce_part, cnt_part = _run_sc_loss(
        es.reshape(rows, 128), ets.reshape(rows, 128), g2, dent_part,
        num_groups)
    return jnp.sum(ce_part) / jnp.maximum(jnp.sum(cnt_part), 1.0)

# --- scband reference (transcript-rebuilt; emitter-appended) ---
"""Pipeline reference for scband-list-net-reranker-88021059764793 (READ-ONLY COPY).

The authoritative reference and input builder live on the scoring server;
editing this copy changes nothing except your own understanding.
"""

import jax, jax.numpy as jnp
import numpy as np

N = 65536
D = 256
H = 256
G = 2048


def setup_inputs(seed: int = 0) -> dict:
    key = jax.random.key(seed)
    ks = jax.random.split(key, 8)
    x = jax.random.normal(ks[0], (N, D), dtype=jnp.float32)
    y = jax.random.normal(ks[1], (N,), dtype=jnp.float32)
    g = jnp.sort(jax.random.randint(ks[2], (N,), 0, G, dtype=jnp.int32)).astype(jnp.int32)
    W1 = jax.random.normal(ks[3], (D, H), dtype=jnp.float32) * (1.0 / np.sqrt(D))
    b1 = jnp.zeros((H,), dtype=jnp.float32)
    W2 = jax.random.normal(ks[4], (H, H), dtype=jnp.float32) * (1.0 / np.sqrt(H))
    b2 = jnp.zeros((H,), dtype=jnp.float32)
    W3 = jax.random.normal(ks[5], (H, 1), dtype=jnp.float32) * (1.0 / np.sqrt(H))
    b3 = jnp.zeros((1,), dtype=jnp.float32)
    return {"x": x, "y": y, "g": g, "W1": W1, "b1": b1, "W2": W2, "b2": b2, "W3": W3, "b3": b3}


def _silu(v):
    return v * jax.nn.sigmoid(v)


def reference(x, y, g, W1, b1, W2, b2, W3, b3):
    # net: Linear -> SiLU -> (Dropout=identity in eval) -> Linear -> SiLU -> Linear(->1)
    h = _silu(x @ W1 + b1)
    h = _silu(h @ W2 + b2)
    s = (h @ W3 + b3)[:, 0]
    # _listnet_loss_vectorized(s, t=y, g): listwise cross-entropy over request groups
    eps = 1e-09
    exp_s = jnp.exp(s)
    den_s = jax.ops.segment_sum(exp_s, g, num_segments=G)
    p = exp_s / (den_s[g] + eps)
    exp_t = jnp.exp(y)
    den_t = jax.ops.segment_sum(exp_t, g, num_segments=G)
    q = exp_t / (den_t[g] + eps)
    ce_elem = -q * jnp.log(p + eps)
    ce_group = jax.ops.segment_sum(ce_elem, g, num_segments=G)
    counts = jax.ops.segment_sum(jnp.ones_like(s), g, num_segments=G)
    # torch.unique compresses to non-empty groups; empty segments contribute 0 to sum,
    # so mean over unique groups == sum / (# non-empty groups)
    n_groups = jnp.maximum(jnp.sum(counts > 0), 1).astype(jnp.float32)
    loss = ce_group.sum() / n_groups
    return loss

if __name__ == "__main__":
    import jax
    _d = setup_inputs()
    print(jax.jit(kernel)(*tuple(_d.values())))

</pallas_src>

<mosaic_0001>
#map = affine_map<(d0, d1) -> (0, 0)>
module attributes {stable_mosaic.version = 14 : i64} {
  func.func @_sc_loss_body(%arg0: i32, %arg1: i32, %arg2: memref<512x128xf32, #tpu.memory_space<hbm>>, %arg3: memref<512x128xf32, #tpu.memory_space<hbm>>, %arg4: memref<512x128xi32, #tpu.memory_space<hbm>>, %arg5: memref<2x2048xf32, #tpu.memory_space<hbm>>, %arg6: memref<32x16xf32, #tpu.memory_space<hbm>>, %arg7: memref<32x16xf32, #tpu.memory_space<hbm>>, %arg8: memref<32x128xf32, #tpu.memory_space<vmem>>, %arg9: memref<32x128xf32, #tpu.memory_space<vmem>>, %arg10: memref<32x128xi32, #tpu.memory_space<vmem>>, %arg11: memref<2048xf32, #tpu.memory_space<vmem>>, %arg12: memref<16xf32, #tpu.memory_space<vmem>>, %arg13: memref<2048xf32, #tpu.memory_space<vmem>>, %arg14: memref<2x2048xf32, #tpu.memory_space<vmem>>, %arg15: memref<64xf32, #tpu.memory_space<vmem>>, %arg16: memref<2048xf32, #tpu.memory_space<vmem_shared>>) attributes {dimension_semantics = [#tpu.dimension_semantics<core_parallel>, #tpu.dimension_semantics<subcore_parallel>], iteration_bounds = array<i64: 2, 16>, scalar_prefetch = 0 : i64, scratch_operands = 9 : i64, tpu.core_type = #tpu.core_type<sc_vector_subcore>, window_params = [{transform_indices = #map}, {transform_indices = #map}, {transform_indices = #map}, {transform_indices = #map}, {transform_indices = #map}, {transform_indices = #map}]} {
    %mul3A = arith.constant 32 : i32
    %mul3A_0 = arith.muli %arg1, %mul3A : i32
    "tpu.region"() ({
      %run_scoped3A = tpu.sem_alloc : memref<!tpu.dma_semaphore, #tpu.memory_space<semaphore_mem>>
      %dma_start3A = arith.constant 0 : i32
      %dma_start3A_254 = tpu.memref_slice %arg2[%mul3A_0, %dma_start3A] : memref<512x128xf32, #tpu.memory_space<hbm>> -> memref<32x128xf32, #tpu.memory_space<hbm>>
      %dma_start3A_255 = arith.constant 0 : i32
      %dma_start3A_256 = tpu.memref_slice %arg2[%mul3A_0, %dma_start3A_255] : memref<512x128xf32, #tpu.memory_space<hbm>> -> memref<32x128xf32, #tpu.memory_space<hbm>>
      tpu.enqueue_dma source(%dma_start3A_256 : memref<32x128xf32, #tpu.memory_space<hbm>>) target(%arg8 : memref<32x128xf32, #tpu.memory_space<vmem>>) target_semaphore(%run_scoped3A : memref<!tpu.dma_semaphore, #tpu.memory_space<semaphore_mem>>)
      %dma_wait3A = arith.constant 0 : i32
      %dma_wait3A_257 = tpu.memref_slice %arg2[%mul3A_0, %dma_wait3A] : memref<512x128xf32, #tpu.memory_space<hbm>> -> memref<32x128xf32, #tpu.memory_space<hbm>>
      %dma_wait3A_258 = arith.constant 0 : i32
      %dma_wait3A_259 = tpu.memref_slice %arg2[%mul3A_0, %dma_wait3A_258] : memref<512x128xf32, #tpu.memory_space<hbm>> -> memref<32x128xf32, #tpu.memory_space<hbm>>
      tpu.wait_dma2 semaphore(%run_scoped3A : memref<!tpu.dma_semaphore, #tpu.memory_space<semaphore_mem>>) src(%dma_wait3A_259 : memref<32x128xf32, #tpu.memory_space<hbm>>) dst(%arg8 : memref<32x128xf32, #tpu.memory_space<vmem>>)
      tpu.yield
    }) : () -> ()
    "tpu.region"() ({
      %run_scoped3A = tpu.sem_alloc : memref<!tpu.dma_semaphore, #tpu.memory_space<semaphore_mem>>
      %dma_start3A = arith.constant 0 : i32
      %dma_start3A_254 = tpu.memref_slice %arg3[%mul3A_0, %dma_start3A] : memref<512x128xf32, #tpu.memory_space<hbm>> -> memref<32x128xf32, #tpu.memory_space<hbm>>
      %dma_start3A_255 = arith.constant 0 : i32
      %dma_start3A_256 = tpu.memref_slice %arg3[%mul3A_0, %dma_start3A_255] : memref<512x128xf32, #tpu.memory_space<hbm>> -> memref<32x128xf32, #tpu.memory_space<hbm>>
      tpu.enqueue_dma source(%dma_start3A_256 : memref<32x128xf32, #tpu.memory_space<hbm>>) target(%arg9 : memref<32x128xf32, #tpu.memory_space<vmem>>) target_semaphore(%run_scoped3A : memref<!tpu.dma_semaphore, #tpu.memory_space<semaphore_mem>>)
      %dma_wait3A = arith.constant 0 : i32
      %dma_wait3A_257 = tpu.memref_slice %arg3[%mul3A_0, %dma_wait3A] : memref<512x128xf32, #tpu.memory_space<hbm>> -> memref<32x128xf32, #tpu.memory_space<hbm>>
      %dma_wait3A_258 = arith.constant 0 : i32
      %dma_wait3A_259 = tpu.memref_slice %arg3[%mul3A_0, %dma_wait3A_258] : memref<512x128xf32, #tpu.memory_space<hbm>> -> memref<32x128xf32, #tpu.memory_space<hbm>>
      tpu.wait_dma2 semaphore(%run_scoped3A : memref<!tpu.dma_semaphore, #tpu.memory_space<semaphore_mem>>) src(%dma_wait3A_259 : memref<32x128xf32, #tpu.memory_space<hbm>>) dst(%arg9 : memref<32x128xf32, #tpu.memory_space<vmem>>)
      tpu.yield
    }) : () -> ()
    "tpu.region"() ({
      %run_scoped3A = tpu.sem_alloc : memref<!tpu.dma_semaphore, #tpu.memory_space<semaphore_mem>>
      %dma_start3A = arith.constant 0 : i32
      %dma_start3A_254 = tpu.memref_slice %arg4[%mul3A_0, %dma_start3A] : memref<512x128xi32, #tpu.memory_space<hbm>> -> memref<32x128xi32, #tpu.memory_space<hbm>>
      %dma_start3A_255 = arith.constant 0 : i32
      %dma_start3A_256 = tpu.memref_slice %arg4[%mul3A_0, %dma_start3A_255] : memref<512x128xi32, #tpu.memory_space<hbm>> -> memref<32x128xi32, #tpu.memory_space<hbm>>
      tpu.enqueue_dma source(%dma_start3A_256 : memref<32x128xi32, #tpu.memory_space<hbm>>) target(%arg10 : memref<32x128xi32, #tpu.memory_space<vmem>>) target_semaphore(%run_scoped3A : memref<!tpu.dma_semaphore, #tpu.memory_space<semaphore_mem>>)
      %dma_wait3A = arith.constant 0 : i32
      %dma_wait3A_257 = tpu.memref_slice %arg4[%mul3A_0, %dma_wait3A] : memref<512x128xi32, #tpu.memory_space<hbm>> -> memref<32x128xi32, #tpu.memory_space<hbm>>
      %dma_wait3A_258 = arith.constant 0 : i32
      %dma_wait3A_259 = tpu.memref_slice %arg4[%mul3A_0, %dma_wait3A_258] : memref<512x128xi32, #tpu.memory_space<hbm>> -> memref<32x128xi32, #tpu.memory_space<hbm>>
      tpu.wait_dma2 semaphore(%run_scoped3A : memref<!tpu.dma_semaphore, #tpu.memory_space<semaphore_mem>>) src(%dma_wait3A_259 : memref<32x128xi32, #tpu.memory_space<hbm>>) dst(%arg10 : memref<32x128xi32, #tpu.memory_space<vmem>>)
      tpu.yield
    }) : () -> ()
    "tpu.region"() ({
      %run_scoped3A = tpu.sem_alloc : memref<!tpu.dma_semaphore, #tpu.memory_space<semaphore_mem>>
      tpu.enqueue_dma source(%arg5 : memref<2x2048xf32, #tpu.memory_space<hbm>>) target(%arg14 : memref<2x2048xf32, #tpu.memory_space<vmem>>) target_semaphore(%run_scoped3A : memref<!tpu.dma_semaphore, #tpu.memory_space<semaphore_mem>>)
      tpu.wait_dma2 semaphore(%run_scoped3A : memref<!tpu.dma_semaphore, #tpu.memory_space<semaphore_mem>>) src(%arg5 : memref<2x2048xf32, #tpu.memory_space<hbm>>) dst(%arg14 : memref<2x2048xf32, #tpu.memory_space<vmem>>)
      tpu.yield
    }) : () -> ()
    %eq3A = arith.constant 0 : i32
    %eq3A_1 = arith.cmpi eq, %arg1, %eq3A : i32
    %convert_element_type3A = arith.extui %eq3A_1 : i1 to i32
    %cond3A = arith.constant 0 : i32
    %cond3A_2 = arith.cmpi ne, %convert_element_type3A, %cond3A : i32
    scf.if %cond3A_2 {
      %scan3A_254 = arith.constant 0 : i32
      %scan3A_255 = arith.constant 0 : i32
      %scan3A_256 = arith.constant 128 : i32
      %scan3A_257 = arith.addi %scan3A_255, %scan3A_256 : i32
      %scan3A_258 = arith.constant 1 : i32
      %scan3A_259 = scf.for %scan3A_261 = %scan3A_255 to %scan3A_257 step %scan3A_258 iter_args(%scan3A_262 = %scan3A_254) -> (i32)  : i32 {
        %broadcast_in_dim3A_263 = arith.constant 0.000000e+00 : f32
        %broadcast_in_dim3A_264 = vector.broadcast %broadcast_in_dim3A_263 : f32 to vector<16xf32>
        %mul3A_265 = arith.constant 16 : i32
        %mul3A_266 = arith.muli %mul3A_265, %scan3A_261 : i32
        %swap3A_267 = arith.index_cast %mul3A_266 : i32 to index
        %swap3A_268 = tpu.vector_load %arg11[%swap3A_267] {strides = array<i32>} : memref<2048xf32, #tpu.memory_space<vmem>>, vector<16xf32>,
        tpu.vector_store %arg11[%swap3A_267], %broadcast_in_dim3A_264 {strides = array<i32>} : memref<2048xf32, #tpu.memory_space<vmem>>, vector<16xf32>,
        %scan3A_269 = arith.constant 0 : i32
        scf.yield %scan3A_269 : i32
      }
      %scan3A_260 = arith.constant 128 : i32
      "tpu.region"() ({
        %run_scoped3A = tpu.sem_alloc : memref<!tpu.dma_semaphore, #tpu.memory_space<semaphore_mem>>
        tpu.enqueue_dma source(%arg11 : memref<2048xf32, #tpu.memory_space<vmem>>) target(%arg16 : memref<2048xf32, #tpu.memory_space<vmem_shared>>) target_semaphore(%run_scoped3A : memref<!tpu.dma_semaphore, #tpu.memory_space<semaphore_mem>>)
        tpu.wait_dma2 semaphore(%run_scoped3A : memref<!tpu.dma_semaphore, #tpu.memory_space<semaphore_mem>>) src(%arg11 : memref<2048xf32, #tpu.memory_space<vmem>>) dst(%arg16 : memref<2048xf32, #tpu.memory_space<vmem_shared>>)
        tpu.yield
      }) : () -> ()
    } else {
    }
    %scan3A = arith.constant 0 : i32
    %scan3A_3 = arith.constant 0 : i32
    %scan3A_4 = arith.constant 128 : i32
    %scan3A_5 = arith.addi %scan3A_3, %scan3A_4 : i32
    %scan3A_6 = arith.constant 1 : i32
    %scan3A_7 = scf.for %scan3A_254 = %scan3A_3 to %scan3A_5 step %scan3A_6 iter_args(%scan3A_255 = %scan3A) -> (i32)  : i32 {
      %mul3A_256 = arith.constant 16 : i32
      %mul3A_257 = arith.muli %mul3A_256, %scan3A_254 : i32
      %get3A_258 = arith.constant 0 : i32
      %get3A_259 = arith.index_cast %get3A_258 : i32 to index
      %get3A_260 = arith.index_cast %mul3A_257 : i32 to index
      %get3A_261 = tpu.vector_load %arg14[%get3A_259, %get3A_260] {strides = array<i32>} : memref<2x2048xf32, #tpu.memory_space<vmem>>, vector<16xf32>,
      %get3A_262 = arith.constant 1 : i32
      %get3A_263 = arith.index_cast %get3A_262 : i32 to index
      %get3A_264 = arith.index_cast %mul3A_257 : i32 to index
      %get3A_265 = tpu.vector_load %arg14[%get3A_263, %get3A_264] {strides = array<i32>} : memref<2x2048xf32, #tpu.memory_space<vmem>>, vector<16xf32>,
      %add3A_266 = arith.addf %get3A_261, %get3A_265 : vector<16xf32>
      %swap3A_267 = arith.index_cast %mul3A_257 : i32 to index
      %swap3A_268 = tpu.vector_load %arg13[%swap3A_267] {strides = array<i32>} : memref<2048xf32, #tpu.memory_space<vmem>>, vector<16xf32>,
      tpu.vector_store %arg13[%swap3A_267], %add3A_266 {strides = array<i32>} : memref<2048xf32, #tpu.memory_space<vmem>>, vector<16xf32>,
      %scan3A_269 = arith.constant 0 : i32
      scf.yield %scan3A_269 : i32
    }
    %scan3A_8 = arith.constant 128 : i32
    %barrier3A = arith.constant 0 : index
    tpu.barrier barrier_id(%barrier3A)
    %scan3A_9 = arith.constant 0 : i32
    %scan3A_10 = arith.constant 0 : i32
    %scan3A_11 = arith.constant 32 : i32
    %scan3A_12 = arith.addi %scan3A_10, %scan3A_11 : i32
    %scan3A_13 = arith.constant 1 : i32
    %scan3A_14 = scf.for %scan3A_254 = %scan3A_10 to %scan3A_12 step %scan3A_13 iter_args(%scan3A_255 = %scan3A_9) -> (i32)  : i32 {
      "tpu.region"() ({
        %run_scoped3A = tpu.sem_alloc : memref<!tpu.dma_semaphore, #tpu.memory_space<semaphore_mem>>
        %dma_start3A = arith.constant 0 : i32
        %dma_start3A_257 = tpu.memref_slice %arg8[%scan3A_254, %dma_start3A] : memref<32x128xf32, #tpu.memory_space<vmem>> -> memref<1x128xf32, #tpu.memory_space<vmem>>
        %dma_start3A_258 = tpu.memref_squeeze %dma_start3A_257 : memref<1x128xf32, #tpu.memory_space<vmem>> -> memref<128xf32, #tpu.memory_space<vmem>>
        %dma_start3A_259 = arith.constant 0 : i32
        %dma_start3A_260 = tpu.memref_slice %arg10[%scan3A_254, %dma_start3A_259] : memref<32x128xi32, #tpu.memory_space<vmem>> -> memref<1x128xi32, #tpu.memory_space<vmem>>
        %dma_start3A_261 = tpu.memref_squeeze %dma_start3A_260 : memref<1x128xi32, #tpu.memory_space<vmem>> -> memref<128xi32, #tpu.memory_space<vmem>>
        %dma_start3A_262 = arith.constant 0 : i32
        %dma_start3A_263 = tpu.memref_slice %arg16[%dma_start3A_262] : memref<2048xf32, #tpu.memory_space<vmem_shared>> -> memref<2048xf32, #tpu.memory_space<vmem_shared>>
        tpu.enqueue_indirect_dma source(%dma_start3A_258 : memref<128xf32, #tpu.memory_space<vmem>>) target(%dma_start3A_263 : memref<2048xf32, #tpu.memory_space<vmem_shared>>) offsets(%dma_start3A_261 : memref<128xi32, #tpu.memory_space<vmem>>) semaphore(%run_scoped3A : memref<!tpu.dma_semaphore, #tpu.memory_space<semaphore_mem>>) {add = true}
        %dma_wait3A = arith.constant 0 : i32
        %dma_wait3A_264 = tpu.memref_slice %arg8[%scan3A_254, %dma_wait3A] : memref<32x128xf32, #tpu.memory_space<vmem>> -> memref<1x128xf32, #tpu.memory_space<vmem>>
        %dma_wait3A_265 = tpu.memref_squeeze %dma_wait3A_264 : memref<1x128xf32, #tpu.memory_space<vmem>> -> memref<128xf32, #tpu.memory_space<vmem>>
        %dma_wait3A_266 = arith.constant 0 : i32
        %dma_wait3A_267 = tpu.memref_slice %arg10[%scan3A_254, %dma_wait3A_266] : memref<32x128xi32, #tpu.memory_space<vmem>> -> memref<1x128xi32, #tpu.memory_space<vmem>>
        %dma_wait3A_268 = tpu.memref_squeeze %dma_wait3A_267 : memref<1x128xi32, #tpu.memory_space<vmem>> -> memref<128xi32, #tpu.memory_space<vmem>>
        %dma_wait3A_269 = arith.constant 0 : i32
        %dma_wait3A_270 = tpu.memref_slice %arg16[%dma_wait3A_269] : memref<2048xf32, #tpu.memory_space<vmem_shared>> -> memref<2048xf32, #tpu.memory_space<vmem_shared>>
        tpu.wait_indirect_dma semaphore(%run_scoped3A : memref<!tpu.dma_semaphore, #tpu.memory_space<semaphore_mem>>) src(%dma_wait3A_265 : memref<128xf32, #tpu.memory_space<vmem>>) dst(%dma_wait3A_270 : memref<2048xf32, #tpu.memory_space<vmem_shared>>)
        tpu.yield
      }) : () -> ()
      %scan3A_256 = arith.constant 0 : i32
      scf.yield %scan3A_256 : i32
    }
    %scan3A_15 = arith.constant 32 : i32
    %broadcast_in_dim3A = arith.constant 0.000000e+00 : f32
    %broadcast_in_dim3A_16 = vector.broadcast %broadcast_in_dim3A : f32 to vector<16xf32>
    %swap3A = arith.constant 0 : index
    %swap3A_17 = tpu.vector_load %arg12[%swap3A] {strides = array<i32>} : memref<16xf32, #tpu.memory_space<vmem>>, vector<16xf32>,
    tpu.vector_store %arg12[%swap3A], %broadcast_in_dim3A_16 {strides = array<i32>} : memref<16xf32, #tpu.memory_space<vmem>>, vector<16xf32>,
    %ge3A = arith.constant 8 : i32
    %ge3A_18 = arith.cmpi sge, %arg1, %ge3A : i32
    %jit3A = arith.constant 1 : i32
    %jit3A_19 = arith.constant 0 : i32
    %select_n3A = arith.select %ge3A_18, %jit3A, %jit3A_19 : i32
    %eq3A_20 = arith.cmpi eq, %arg0, %select_n3A : i32
    %convert_element_type3A_21 = arith.extui %eq3A_20 : i1 to i32
    %cond3A_22 = arith.constant 0 : i32
    %cond3A_23 = arith.cmpi ne, %convert_element_type3A_21, %cond3A_22 : i32
    scf.if %cond3A_23 {
      %scan3A_254 = arith.constant 0 : i32
      %scan3A_255 = arith.constant 0 : i32
      %scan3A_256 = arith.constant 32 : i32
      %scan3A_257 = arith.addi %scan3A_255, %scan3A_256 : i32
      %scan3A_258 = arith.constant 1 : i32
      %scan3A_259 = scf.for %scan3A_261 = %scan3A_255 to %scan3A_257 step %scan3A_258 iter_args(%scan3A_262 = %scan3A_254) -> (i32)  : i32 {
        %get3A_263 = arith.index_cast %scan3A_261 : i32 to index
        %get3A_264 = arith.constant 0 : index
        %get3A_265 = tpu.vector_load %arg10[%get3A_263, %get3A_264] {strides = array<i32>} : memref<32x128xi32, #tpu.memory_space<vmem>>, vector<16xi32>,
        %gather3A = tpu.vector_load_idx %arg13[%get3A_265] : memref<2048xf32, #tpu.memory_space<vmem>>[vector<16xi32>], vector<16xf32>,
        %get3A_266 = arith.constant 0 : index
        %get3A_267 = tpu.vector_load %arg12[%get3A_266] {strides = array<i32>} : memref<16xf32, #tpu.memory_space<vmem>>, vector<16xf32>,
        %get3A_268 = arith.index_cast %scan3A_261 : i32 to index
        %get3A_269 = arith.constant 0 : index
        %get3A_270 = tpu.vector_load %arg9[%get3A_268, %get3A_269] {strides = array<i32>} : memref<32x128xf32, #tpu.memory_space<vmem>>, vector<16xf32>,
        %add3A_271 = arith.constant 9.99999971E-10 : f32
        %add3A_272 = vector.broadcast %add3A_271 : f32 to vector<16xf32>
        %add3A_273 = arith.addf %gather3A, %add3A_272 : vector<16xf32>
        %div3A = arith.divf %get3A_270, %add3A_273 : vector<16xf32>
        %add3A_274 = arith.addf %get3A_267, %div3A : vector<16xf32>
        %swap3A_275 = arith.constant 0 : index
        %swap3A_276 = tpu.vector_load %arg12[%swap3A_275] {strides = array<i32>} : memref<16xf32, #tpu.memory_space<vmem>>, vector<16xf32>,
        tpu.vector_store %arg12[%swap3A_275], %add3A_274 {strides = array<i32>} : memref<16xf32, #tpu.memory_space<vmem>>, vector<16xf32>,
        %get3A_277 = arith.index_cast %scan3A_261 : i32 to index
        %get3A_278 = arith.constant 16 : index
        %get3A_279 = tpu.vector_load %arg10[%get3A_277, %get3A_278] {strides = array<i32>} : memref<32x128xi32, #tpu.memory_space<vmem>>, vector<16xi32>,
        %gather3A_280 = tpu.vector_load_idx %arg13[%get3A_279] : memref<2048xf32, #tpu.memory_space<vmem>>[vector<16xi32>], vector<16xf32>,
        %get3A_281 = arith.constant 0 : index
        %get3A_282 = tpu.vector_load %arg12[%get3A_281] {strides = array<i32>} : memref<16xf32, #tpu.memory_space<vmem>>, vector<16xf32>,
        %get3A_283 = arith.index_cast %scan3A_261 : i32 to index
        %get3A_284 = arith.constant 16 : index
        %get3A_285 = tpu.vector_load %arg9[%get3A_283, %get3A_284] {strides = array<i32>} : memref<32x128xf32, #tpu.memory_space<vmem>>, vector<16xf32>,
        %add3A_286 = arith.constant 9.99999971E-10 : f32
        %add3A_287 = vector.broadcast %add3A_286 : f32 to vector<16xf32>
        %add3A_288 = arith.addf %gather3A_280, %add3A_287 : vector<16xf32>
        %div3A_289 = arith.divf %get3A_285, %add3A_288 : vector<16xf32>
        %add3A_290 = arith.addf %get3A_282, %div3A_289 : vector<16xf32>
        %swap3A_291 = arith.constant 0 : index
        %swap3A_292 = tpu.vector_load %arg12[%swap3A_291] {strides = array<i32>} : memref<16xf32, #tpu.memory_space<vmem>>, vector<16xf32>,
        tpu.vector_store %arg12[%swap3A_291], %add3A_290 {strides = array<i32>} : memref<16xf32, #tpu.memory_space<vmem>>, vector<16xf32>,
        %get3A_293 = arith.index_cast %scan3A_261 : i32 to index
        %get3A_294 = arith.constant 32 : index
        %get3A_295 = tpu.vector_load %arg10[%get3A_293, %get3A_294] {strides = array<i32>} : memref<32x128xi32, #tpu.memory_space<vmem>>, vector<16xi32>,
        %gather3A_296 = tpu.vector_load_idx %arg13[%get3A_295] : memref<2048xf32, #tpu.memory_space<vmem>>[vector<16xi32>], vector<16xf32>,
        %get3A_297 = arith.constant 0 : index
        %get3A_298 = tpu.vector_load %arg12[%get3A_297] {strides = array<i32>} : memref<16xf32, #tpu.memory_space<vmem>>, vector<16xf32>,
        %get3A_299 = arith.index_cast %scan3A_261 : i32 to index
        %get3A_300 = arith.constant 32 : index
        %get3A_301 = tpu.vector_load %arg9[%get3A_299, %get3A_300] {strides = array<i32>} : memref<32x128xf32, #tpu.memory_space<vmem>>, vector<16xf32>,
        %add3A_302 = arith.constant 9.99999971E-10 : f32
        %add3A_303 = vector.broadcast %add3A_302 : f32 to vector<16xf32>
        %add3A_304 = arith.addf %gather3A_296, %add3A_303 : vector<16xf32>
        %div3A_305 = arith.divf %get3A_301, %add3A_304 : vector<16xf32>
        %add3A_306 = arith.addf %get3A_298, %div3A_305 : vector<16xf32>
        %swap3A_307 = arith.constant 0 : index
        %swap3A_308 = tpu.vector_load %arg12[%swap3A_307] {strides = array<i32>} : memref<16xf32, #tpu.memory_space<vmem>>, vector<16xf32>,
        tpu.vector_store %arg12[%swap3A_307], %add3A_306 {strides = array<i32>} : memref<16xf32, #tpu.memory_space<vmem>>, vector<16xf32>,
        %get3A_309 = arith.index_cast %scan3A_261 : i32 to index
        %get3A_310 = arith.constant 48 : index
        %get3A_311 = tpu.vector_load %arg10[%get3A_309, %get3A_310] {strides = array<i32>} : memref<32x128xi32, #tpu.memory_space<vmem>>, vector<16xi32>,
        %gather3A_312 = tpu.vector_load_idx %arg13[%get3A_311] : memref<2048xf32, #tpu.memory_space<vmem>>[vector<16xi32>], vector<16xf32>,
        %get3A_313 = arith.constant 0 : index
        %get3A_314 = tpu.vector_load %arg12[%get3A_313] {strides = array<i32>} : memref<16xf32, #tpu.memory_space<vmem>>, vector<16xf32>,
        %get3A_315 = arith.index_cast %scan3A_261 : i32 to index
        %get3A_316 = arith.constant 48 : index
        %get3A_317 = tpu.vector_load %arg9[%get3A_315, %get3A_316] {strides = array<i32>} : memref<32x128xf32, #tpu.memory_space<vmem>>, vector<16xf32>,
        %add3A_318 = arith.constant 9.99999971E-10 : f32
        %add3A_319 = vector.broadcast %add3A_318 : f32 to vector<16xf32>
        %add3A_320 = arith.addf %gather3A_312, %add3A_319 : vector<16xf32>
        %div3A_321 = arith.divf %get3A_317, %add3A_320 : vector<16xf32>
        %add3A_322 = arith.addf %get3A_314, %div3A_321 : vector<16xf32>
        %swap3A_323 = arith.constant 0 : index
        %swap3A_324 = tpu.vector_load %arg12[%swap3A_323] {strides = array<i32>} : memref<16xf32, #tpu.memory_space<vmem>>, vector<16xf32>,
        tpu.vector_store %arg12[%swap3A_323], %add3A_322 {strides = array<i32>} : memref<16xf32, #tpu.memory_space<vmem>>, vector<16xf32>,
        %get3A_325 = arith.index_cast %scan3A_261 : i32 to index
        %get3A_326 = arith.constant 64 : index
        %get3A_327 = tpu.vector_load %arg10[%get3A_325, %get3A_326] {strides = array<i32>} : memref<32x128xi32, #tpu.memory_space<vmem>>, vector<16xi32>,
        %gather3A_328 = tpu.vector_load_idx %arg13[%get3A_327] : memref<2048xf32, #tpu.memory_space<vmem>>[vector<16xi32>], vector<16xf32>,
        %get3A_329 = arith.constant 0 : index
        %get3A_330 = tpu.vector_load %arg12[%get3A_329] {strides = array<i32>} : memref<16xf32, #tpu.memory_space<vmem>>, vector<16xf32>,
        %get3A_331 = arith.index_cast %scan3A_261 : i32 to index
        %get3A_332 = arith.constant 64 : index
        %get3A_333 = tpu.vector_load %arg9[%get3A_331, %get3A_332] {strides = array<i32>} : memref<32x128xf32, #tpu.memory_space<vmem>>, vector<16xf32>,
        %add3A_334 = arith.constant 9.99999971E-10 : f32
        %add3A_335 = vector.broadcast %add3A_334 : f32 to vector<16xf32>
        %add3A_336 = arith.addf %gather3A_328, %add3A_335 : vector<16xf32>
        %div3A_337 = arith.divf %get3A_333, %add3A_336 : vector<16xf32>
        %add3A_338 = arith.addf %get3A_330, %div3A_337 : vector<16xf32>
        %swap3A_339 = arith.constant 0 : index
        %swap3A_340 = tpu.vector_load %arg12[%swap3A_339] {strides = array<i32>} : memref<16xf32, #tpu.memory_space<vmem>>, vector<16xf32>,
        tpu.vector_store %arg12[%swap3A_339], %add3A_338 {strides = array<i32>} : memref<16xf32, #tpu.memory_space<vmem>>, vector<16xf32>,
        %get3A_341 = arith.index_cast %scan3A_261 : i32 to index
        %get3A_342 = arith.constant 80 : index
        %get3A_343 = tpu.vector_load %arg10[%get3A_341, %get3A_342] {strides = array<i32>} : memref<32x128xi32, #tpu.memory_space<vmem>>, vector<16xi32>,
        %gather3A_344 = tpu.vector_load_idx %arg13[%get3A_343] : memref<2048xf32, #tpu.memory_space<vmem>>[vector<16xi32>], vector<16xf32>,
        %get3A_345 = arith.constant 0 : index
        %get3A_346 = tpu.vector_load %arg12[%get3A_345] {strides = array<i32>} : memref<16xf32, #tpu.memory_space<vmem>>, vector<16xf32>,
        %get3A_347 = arith.index_cast %scan3A_261 : i32 to index
        %get3A_348 = arith.constant 80 : index
        %get3A_349 = tpu.vector_load %arg9[%get3A_347, %get3A_348] {strides = array<i32>} : memref<32x128xf32, #tpu.memory_space<vmem>>, vector<16xf32>,
        %add3A_350 = arith.constant 9.99999971E-10 : f32
        %add3A_351 = vector.broadcast %add3A_350 : f32 to vector<16xf32>
        %add3A_352 = arith.addf %gather3A_344, %add3A_351 : vector<16xf32>
        %div3A_353 = arith.divf %get3A_349, %add3A_352 : vector<16xf32>
        %add3A_354 = arith.addf %get3A_346, %div3A_353 : vector<16xf32>
        %swap3A_355 = arith.constant 0 : index
        %swap3A_356 = tpu.vector_load %arg12[%swap3A_355] {strides = array<i32>} : memref<16xf32, #tpu.memory_space<vmem>>, vector<16xf32>,
        tpu.vector_store %arg12[%swap3A_355], %add3A_354 {strides = array<i32>} : memref<16xf32, #tpu.memory_space<vmem>>, vector<16xf32>,
        %get3A_357 = arith.index_cast %scan3A_261 : i32 to index
        %get3A_358 = arith.constant 96 : index
        %get3A_359 = tpu.vector_load %arg10[%get3A_357, %get3A_358] {strides = array<i32>} : memref<32x128xi32, #tpu.memory_space<vmem>>, vector<16xi32>,
        %gather3A_360 = tpu.vector_load_idx %arg13[%get3A_359] : memref<2048xf32, #tpu.memory_space<vmem>>[vector<16xi32>], vector<16xf32>,
        %get3A_361 = arith.constant 0 : index
        %get3A_362 = tpu.vector_load %arg12[%get3A_361] {strides = array<i32>} : memref<16xf32, #tpu.memory_space<vmem>>, vector<16xf32>,
        %get3A_363 = arith.index_cast %scan3A_261 : i32 to index
        %get3A_364 = arith.constant 96 : index
        %get3A_365 = tpu.vector_load %arg9[%get3A_363, %get3A_364] {strides = array<i32>} : memref<32x128xf32, #tpu.memory_space<vmem>>, vector<16xf32>,
        %add3A_366 = arith.constant 9.99999971E-10 : f32
        %add3A_367 = vector.broadcast %add3A_366 : f32 to vector<16xf32>
        %add3A_368 = arith.addf %gather3A_360, %add3A_367 : vector<16xf32>
        %div3A_369 = arith.divf %get3A_365, %add3A_368 : vector<16xf32>
        %add3A_370 = arith.addf %get3A_362, %div3A_369 : vector<16xf32>
        %swap3A_371 = arith.constant 0 : index
        %swap3A_372 = tpu.vector_load %arg12[%swap3A_371] {strides = array<i32>} : memref<16xf32, #tpu.memory_space<vmem>>, vector<16xf32>,
        tpu.vector_store %arg12[%swap3A_371], %add3A_370 {strides = array<i32>} : memref<16xf32, #tpu.memory_space<vmem>>, vector<16xf32>,
        %get3A_373 = arith.index_cast %scan3A_261 : i32 to index
        %get3A_374 = arith.constant 112 : index
        %get3A_375 = tpu.vector_load %arg10[%get3A_373, %get3A_374] {strides = array<i32>} : memref<32x128xi32, #tpu.memory_space<vmem>>, vector<16xi32>,
        %gather3A_376 = tpu.vector_load_idx %arg13[%get3A_375] : memref<2048xf32, #tpu.memory_space<vmem>>[vector<16xi32>], vector<16xf32>,
        %get3A_377 = arith.constant 0 : index
        %get3A_378 = tpu.vector_load %arg12[%get3A_377] {strides = array<i32>} : memref<16xf32, #tpu.memory_space<vmem>>, vector<16xf32>,
        %get3A_379 = arith.index_cast %scan3A_261 : i32 to index
        %get3A_380 = arith.constant 112 : index
        %get3A_381 = tpu.vector_load %arg9[%get3A_379, %get3A_380] {strides = array<i32>} : memref<32x128xf32, #tpu.memory_space<vmem>>, vector<16xf32>,
        %add3A_382 = arith.constant 9.99999971E-10 : f32
        %add3A_383 = vector.broadcast %add3A_382 : f32 to vector<16xf32>
        %add3A_384 = arith.addf %gather3A_376, %add3A_383 : vector<16xf32>
        %div3A_385 = arith.divf %get3A_381, %add3A_384 : vector<16xf32>
        %add3A_386 = arith.addf %get3A_378, %div3A_385 : vector<16xf32>
        %swap3A_387 = arith.constant 0 : index
        %swap3A_388 = tpu.vector_load %arg12[%swap3A_387] {strides = array<i32>} : memref<16xf32, #tpu.memory_space<vmem>>, vector<16xf32>,
        tpu.vector_store %arg12[%swap3A_387], %add3A_386 {strides = array<i32>} : memref<16xf32, #tpu.memory_space<vmem>>, vector<16xf32>,
        %scan3A_389 = arith.constant 0 : i32
        scf.yield %scan3A_389 : i32
      }
      %scan3A_260 = arith.constant 32 : i32
    } else {
    }
    %barrier3A_24 = arith.constant 0 : index
    tpu.barrier barrier_id(%barrier3A_24)
    %mul3A_25 = arith.constant 16 : i32
    %mul3A_26 = arith.muli %arg0, %mul3A_25 : i32
    %add3A = arith.addi %mul3A_26, %arg1 : i32
    %mul3A_27 = arith.constant 64 : i32
    %mul3A_28 = arith.muli %add3A, %mul3A_27 : i32
    "tpu.region"() ({
      %run_scoped3A = tpu.sem_alloc : memref<!tpu.dma_semaphore, #tpu.memory_space<semaphore_mem>>
      %dma_start3A = tpu.memref_slice %arg16[%mul3A_28] : memref<2048xf32, #tpu.memory_space<vmem_shared>> -> memref<64xf32, #tpu.memory_space<vmem_shared>>
      %dma_start3A_254 = tpu.memref_slice %arg16[%mul3A_28] : memref<2048xf32, #tpu.memory_space<vmem_shared>> -> memref<64xf32, #tpu.memory_space<vmem_shared>>
      tpu.enqueue_dma source(%dma_start3A_254 : memref<64xf32, #tpu.memory_space<vmem_shared>>) target(%arg15 : memref<64xf32, #tpu.memory_space<vmem>>) target_semaphore(%run_scoped3A : memref<!tpu.dma_semaphore, #tpu.memory_space<semaphore_mem>>)
      %dma_wait3A = tpu.memref_slice %arg16[%mul3A_28] : memref<2048xf32, #tpu.memory_space<vmem_shared>> -> memref<64xf32, #tpu.memory_space<vmem_shared>>
      %dma_wait3A_255 = tpu.memref_slice %arg16[%mul3A_28] : memref<2048xf32, #tpu.memory_space<vmem_shared>> -> memref<64xf32, #tpu.memory_space<vmem_shared>>
      tpu.wait_dma2 semaphore(%run_scoped3A : memref<!tpu.dma_semaphore, #tpu.memory_space<semaphore_mem>>) src(%dma_wait3A_255 : memref<64xf32, #tpu.memory_space<vmem_shared>>) dst(%arg15 : memref<64xf32, #tpu.memory_space<vmem>>)
      tpu.yield
    }) : () -> ()
    %broadcast_in_dim3A_29 = arith.constant 0.000000e+00 : f32
    %broadcast_in_dim3A_30 = vector.broadcast %broadcast_in_dim3A_29 : f32 to vector<16xf32>
    %broadcast_in_dim3A_31 = arith.constant 0.000000e+00 : f32
    %broadcast_in_dim3A_32 = vector.broadcast %broadcast_in_dim3A_31 : f32 to vector<16xf32>
    %get3A = arith.constant 0 : index
    %get3A_33 = tpu.vector_load %arg15[%get3A] {strides = array<i32>} : memref<64xf32, #tpu.memory_space<vmem>>, vector<16xf32>,
    %add3A_34 = arith.constant 0 : i32
    %add3A_35 = arith.addi %mul3A_28, %add3A_34 : i32
    %get3A_36 = arith.index_cast %add3A_35 : i32 to index
    %get3A_37 = tpu.vector_load %arg13[%get3A_36] {strides = array<i32>} : memref<2048xf32, #tpu.memory_space<vmem>>, vector<16xf32>,
    %gt3A = arith.constant 0.000000e+00 : f32
    %gt3A_38 = vector.broadcast %gt3A : f32 to vector<16xf32>
    %gt3A_39 = arith.cmpf ogt, %get3A_37, %gt3A_38 : vector<16xf32>
    %broadcast_in_dim3A_40 = arith.constant 0.000000e+00 : f32
    %broadcast_in_dim3A_41 = vector.broadcast %broadcast_in_dim3A_40 : f32 to vector<16xf32>
    %add3A_42 = arith.constant 9.99999971E-10 : f32
    %add3A_43 = vector.broadcast %add3A_42 : f32 to vector<16xf32>
    %add3A_44 = arith.addf %get3A_33, %add3A_43 : vector<16xf32>
    %bitcast_convert_type3A = tpu.bitcast %add3A_44 : vector<16xf32> -> vector<16xi32>
    %convert_element_type3A_45 = arith.sitofp %bitcast_convert_type3A : vector<16xi32> to vector<16xf32>
    %sub3A = arith.constant 1.06486682E+9 : f32
    %sub3A_46 = vector.broadcast %sub3A : f32 to vector<16xf32>
    %sub3A_47 = arith.subf %convert_element_type3A_45, %sub3A_46 : vector<16xf32>
    %mul3A_48 = arith.constant 8.26295832E-8 : f32
    %mul3A_49 = vector.broadcast %mul3A_48 : f32 to vector<16xf32>
    %mul3A_50 = arith.mulf %sub3A_47, %mul3A_49 : vector<16xf32>
    %neg3A = arith.constant 0.000000e+00 : f32
    %neg3A_51 = vector.broadcast %neg3A : f32 to vector<16xf32>
    %neg3A_52 = arith.subf %neg3A_51, %mul3A_50 : vector<16xf32>
    %exp3A = math.exp %neg3A_52 : vector<16xf32>
    %mul3A_53 = arith.mulf %add3A_44, %exp3A : vector<16xf32>
    %add3A_54 = arith.addf %mul3A_50, %mul3A_53 : vector<16xf32>
    %sub3A_55 = arith.constant 1.000000e+00 : f32
    %sub3A_56 = vector.broadcast %sub3A_55 : f32 to vector<16xf32>
    %sub3A_57 = arith.subf %add3A_54, %sub3A_56 : vector<16xf32>
    %neg3A_58 = arith.constant 0.000000e+00 : f32
    %neg3A_59 = vector.broadcast %neg3A_58 : f32 to vector<16xf32>
    %neg3A_60 = arith.subf %neg3A_59, %sub3A_57 : vector<16xf32>
    %exp3A_61 = math.exp %neg3A_60 : vector<16xf32>
    %mul3A_62 = arith.mulf %add3A_44, %exp3A_61 : vector<16xf32>
    %add3A_63 = arith.addf %sub3A_57, %mul3A_62 : vector<16xf32>
    %sub3A_64 = arith.constant 1.000000e+00 : f32
    %sub3A_65 = vector.broadcast %sub3A_64 : f32 to vector<16xf32>
    %sub3A_66 = arith.subf %add3A_63, %sub3A_65 : vector<16xf32>
    %neg3A_67 = arith.constant 0.000000e+00 : f32
    %neg3A_68 = vector.broadcast %neg3A_67 : f32 to vector<16xf32>
    %neg3A_69 = arith.subf %neg3A_68, %sub3A_66 : vector<16xf32>
    %exp3A_70 = math.exp %neg3A_69 : vector<16xf32>
    %mul3A_71 = arith.mulf %add3A_44, %exp3A_70 : vector<16xf32>
    %add3A_72 = arith.addf %sub3A_66, %mul3A_71 : vector<16xf32>
    %sub3A_73 = arith.constant 1.000000e+00 : f32
    %sub3A_74 = vector.broadcast %sub3A_73 : f32 to vector<16xf32>
    %sub3A_75 = arith.subf %add3A_72, %sub3A_74 : vector<16xf32>
    %select_n3A_76 = arith.select %gt3A_39, %sub3A_75, %broadcast_in_dim3A_41 : vector<16xi1>, vector<16xf32>
    %add3A_77 = arith.addf %broadcast_in_dim3A_30, %select_n3A_76 : vector<16xf32>
    %broadcast_in_dim3A_78 = arith.constant 1.000000e+00 : f32
    %broadcast_in_dim3A_79 = vector.broadcast %broadcast_in_dim3A_78 : f32 to vector<16xf32>
    %select_n3A_80 = arith.select %gt3A_39, %broadcast_in_dim3A_79, %broadcast_in_dim3A_41 : vector<16xi1>, vector<16xf32>
    %add3A_81 = arith.addf %broadcast_in_dim3A_32, %select_n3A_80 : vector<16xf32>
    %get3A_82 = arith.constant 16 : index
    %get3A_83 = tpu.vector_load %arg15[%get3A_82] {strides = array<i32>} : memref<64xf32, #tpu.memory_space<vmem>>, vector<16xf32>,
    %add3A_84 = arith.constant 16 : i32
    %add3A_85 = arith.addi %mul3A_28, %add3A_84 : i32
    %get3A_86 = arith.index_cast %add3A_85 : i32 to index
    %get3A_87 = tpu.vector_load %arg13[%get3A_86] {strides = array<i32>} : memref<2048xf32, #tpu.memory_space<vmem>>, vector<16xf32>,
    %gt3A_88 = arith.constant 0.000000e+00 : f32
    %gt3A_89 = vector.broadcast %gt3A_88 : f32 to vector<16xf32>
    %gt3A_90 = arith.cmpf ogt, %get3A_87, %gt3A_89 : vector<16xf32>
    %broadcast_in_dim3A_91 = arith.constant 0.000000e+00 : f32
    %broadcast_in_dim3A_92 = vector.broadcast %broadcast_in_dim3A_91 : f32 to vector<16xf32>
    %add3A_93 = arith.constant 9.99999971E-10 : f32
    %add3A_94 = vector.broadcast %add3A_93 : f32 to vector<16xf32>
    %add3A_95 = arith.addf %get3A_83, %add3A_94 : vector<16xf32>
    %bitcast_convert_type3A_96 = tpu.bitcast %add3A_95 : vector<16xf32> -> vector<16xi32>
    %convert_element_type3A_97 = arith.sitofp %bitcast_convert_type3A_96 : vector<16xi32> to vector<16xf32>
    %sub3A_98 = arith.constant 1.06486682E+9 : f32
    %sub3A_99 = vector.broadcast %sub3A_98 : f32 to vector<16xf32>
    %sub3A_100 = arith.subf %convert_element_type3A_97, %sub3A_99 : vector<16xf32>
    %mul3A_101 = arith.constant 8.26295832E-8 : f32
    %mul3A_102 = vector.broadcast %mul3A_101 : f32 to vector<16xf32>
    %mul3A_103 = arith.mulf %sub3A_100, %mul3A_102 : vector<16xf32>
    %neg3A_104 = arith.constant 0.000000e+00 : f32
    %neg3A_105 = vector.broadcast %neg3A_104 : f32 to vector<16xf32>
    %neg3A_106 = arith.subf %neg3A_105, %mul3A_103 : vector<16xf32>
    %exp3A_107 = math.exp %neg3A_106 : vector<16xf32>
    %mul3A_108 = arith.mulf %add3A_95, %exp3A_107 : vector<16xf32>
    %add3A_109 = arith.addf %mul3A_103, %mul3A_108 : vector<16xf32>
    %sub3A_110 = arith.constant 1.000000e+00 : f32
    %sub3A_111 = vector.broadcast %sub3A_110 : f32 to vector<16xf32>
    %sub3A_112 = arith.subf %add3A_109, %sub3A_111 : vector<16xf32>
    %neg3A_113 = arith.constant 0.000000e+00 : f32
    %neg3A_114 = vector.broadcast %neg3A_113 : f32 to vector<16xf32>
    %neg3A_115 = arith.subf %neg3A_114, %sub3A_112 : vector<16xf32>
    %exp3A_116 = math.exp %neg3A_115 : vector<16xf32>
    %mul3A_117 = arith.mulf %add3A_95, %exp3A_116 : vector<16xf32>
    %add3A_118 = arith.addf %sub3A_112, %mul3A_117 : vector<16xf32>
    %sub3A_119 = arith.constant 1.000000e+00 : f32
    %sub3A_120 = vector.broadcast %sub3A_119 : f32 to vector<16xf32>
    %sub3A_121 = arith.subf %add3A_118, %sub3A_120 : vector<16xf32>
    %neg3A_122 = arith.constant 0.000000e+00 : f32
    %neg3A_123 = vector.broadcast %neg3A_122 : f32 to vector<16xf32>
    %neg3A_124 = arith.subf %neg3A_123, %sub3A_121 : vector<16xf32>
    %exp3A_125 = math.exp %neg3A_124 : vector<16xf32>
    %mul3A_126 = arith.mulf %add3A_95, %exp3A_125 : vector<16xf32>
    %add3A_127 = arith.addf %sub3A_121, %mul3A_126 : vector<16xf32>
    %sub3A_128 = arith.constant 1.000000e+00 : f32
    %sub3A_129 = vector.broadcast %sub3A_128 : f32 to vector<16xf32>
    %sub3A_130 = arith.subf %add3A_127, %sub3A_129 : vector<16xf32>
    %select_n3A_131 = arith.select %gt3A_90, %sub3A_130, %broadcast_in_dim3A_92 : vector<16xi1>, vector<16xf32>
    %add3A_132 = arith.addf %add3A_77, %select_n3A_131 : vector<16xf32>
    %broadcast_in_dim3A_133 = arith.constant 1.000000e+00 : f32
    %broadcast_in_dim3A_134 = vector.broadcast %broadcast_in_dim3A_133 : f32 to vector<16xf32>
    %select_n3A_135 = arith.select %gt3A_90, %broadcast_in_dim3A_134, %broadcast_in_dim3A_92 : vector<16xi1>, vector<16xf32>
    %add3A_136 = arith.addf %add3A_81, %select_n3A_135 : vector<16xf32>
    %get3A_137 = arith.constant 32 : index
    %get3A_138 = tpu.vector_load %arg15[%get3A_137] {strides = array<i32>} : memref<64xf32, #tpu.memory_space<vmem>>, vector<16xf32>,
    %add3A_139 = arith.constant 32 : i32
    %add3A_140 = arith.addi %mul3A_28, %add3A_139 : i32
    %get3A_141 = arith.index_cast %add3A_140 : i32 to index
    %get3A_142 = tpu.vector_load %arg13[%get3A_141] {strides = array<i32>} : memref<2048xf32, #tpu.memory_space<vmem>>, vector<16xf32>,
    %gt3A_143 = arith.constant 0.000000e+00 : f32
    %gt3A_144 = vector.broadcast %gt3A_143 : f32 to vector<16xf32>
    %gt3A_145 = arith.cmpf ogt, %get3A_142, %gt3A_144 : vector<16xf32>
    %broadcast_in_dim3A_146 = arith.constant 0.000000e+00 : f32
    %broadcast_in_dim3A_147 = vector.broadcast %broadcast_in_dim3A_146 : f32 to vector<16xf32>
    %add3A_148 = arith.constant 9.99999971E-10 : f32
    %add3A_149 = vector.broadcast %add3A_148 : f32 to vector<16xf32>
    %add3A_150 = arith.addf %get3A_138, %add3A_149 : vector<16xf32>
    %bitcast_convert_type3A_151 = tpu.bitcast %add3A_150 : vector<16xf32> -> vector<16xi32>
    %convert_element_type3A_152 = arith.sitofp %bitcast_convert_type3A_151 : vector<16xi32> to vector<16xf32>
    %sub3A_153 = arith.constant 1.06486682E+9 : f32
    %sub3A_154 = vector.broadcast %sub3A_153 : f32 to vector<16xf32>
    %sub3A_155 = arith.subf %convert_element_type3A_152, %sub3A_154 : vector<16xf32>
    %mul3A_156 = arith.constant 8.26295832E-8 : f32
    %mul3A_157 = vector.broadcast %mul3A_156 : f32 to vector<16xf32>
    %mul3A_158 = arith.mulf %sub3A_155, %mul3A_157 : vector<16xf32>
    %neg3A_159 = arith.constant 0.000000e+00 : f32
    %neg3A_160 = vector.broadcast %neg3A_159 : f32 to vector<16xf32>
    %neg3A_161 = arith.subf %neg3A_160, %mul3A_158 : vector<16xf32>
    %exp3A_162 = math.exp %neg3A_161 : vector<16xf32>
    %mul3A_163 = arith.mulf %add3A_150, %exp3A_162 : vector<16xf32>
    %add3A_164 = arith.addf %mul3A_158, %mul3A_163 : vector<16xf32>
    %sub3A_165 = arith.constant 1.000000e+00 : f32
    %sub3A_166 = vector.broadcast %sub3A_165 : f32 to vector<16xf32>
    %sub3A_167 = arith.subf %add3A_164, %sub3A_166 : vector<16xf32>
    %neg3A_168 = arith.constant 0.000000e+00 : f32
    %neg3A_169 = vector.broadcast %neg3A_168 : f32 to vector<16xf32>
    %neg3A_170 = arith.subf %neg3A_169, %sub3A_167 : vector<16xf32>
    %exp3A_171 = math.exp %neg3A_170 : vector<16xf32>
    %mul3A_172 = arith.mulf %add3A_150, %exp3A_171 : vector<16xf32>
    %add3A_173 = arith.addf %sub3A_167, %mul3A_172 : vector<16xf32>
    %sub3A_174 = arith.constant 1.000000e+00 : f32
    %sub3A_175 = vector.broadcast %sub3A_174 : f32 to vector<16xf32>
    %sub3A_176 = arith.subf %add3A_173, %sub3A_175 : vector<16xf32>
    %neg3A_177 = arith.constant 0.000000e+00 : f32
    %neg3A_178 = vector.broadcast %neg3A_177 : f32 to vector<16xf32>
    %neg3A_179 = arith.subf %neg3A_178, %sub3A_176 : vector<16xf32>
    %exp3A_180 = math.exp %neg3A_179 : vector<16xf32>
    %mul3A_181 = arith.mulf %add3A_150, %exp3A_180 : vector<16xf32>
    %add3A_182 = arith.addf %sub3A_176, %mul3A_181 : vector<16xf32>
    %sub3A_183 = arith.constant 1.000000e+00 : f32
    %sub3A_184 = vector.broadcast %sub3A_183 : f32 to vector<16xf32>
    %sub3A_185 = arith.subf %add3A_182, %sub3A_184 : vector<16xf32>
    %select_n3A_186 = arith.select %gt3A_145, %sub3A_185, %broadcast_in_dim3A_147 : vector<16xi1>, vector<16xf32>
    %add3A_187 = arith.addf %add3A_132, %select_n3A_186 : vector<16xf32>
    %broadcast_in_dim3A_188 = arith.constant 1.000000e+00 : f32
    %broadcast_in_dim3A_189 = vector.broadcast %broadcast_in_dim3A_188 : f32 to vector<16xf32>
    %select_n3A_190 = arith.select %gt3A_145, %broadcast_in_dim3A_189, %broadcast_in_dim3A_147 : vector<16xi1>, vector<16xf32>
    %add3A_191 = arith.addf %add3A_136, %select_n3A_190 : vector<16xf32>
    %get3A_192 = arith.constant 48 : index
    %get3A_193 = tpu.vector_load %arg15[%get3A_192] {strides = array<i32>} : memref<64xf32, #tpu.memory_space<vmem>>, vector<16xf32>,
    %add3A_194 = arith.constant 48 : i32
    %add3A_195 = arith.addi %mul3A_28, %add3A_194 : i32
    %get3A_196 = arith.index_cast %add3A_195 : i32 to index
    %get3A_197 = tpu.vector_load %arg13[%get3A_196] {strides = array<i32>} : memref<2048xf32, #tpu.memory_space<vmem>>, vector<16xf32>,
    %gt3A_198 = arith.constant 0.000000e+00 : f32
    %gt3A_199 = vector.broadcast %gt3A_198 : f32 to vector<16xf32>
    %gt3A_200 = arith.cmpf ogt, %get3A_197, %gt3A_199 : vector<16xf32>
    %broadcast_in_dim3A_201 = arith.constant 0.000000e+00 : f32
    %broadcast_in_dim3A_202 = vector.broadcast %broadcast_in_dim3A_201 : f32 to vector<16xf32>
    %add3A_203 = arith.constant 9.99999971E-10 : f32
    %add3A_204 = vector.broadcast %add3A_203 : f32 to vector<16xf32>
    %add3A_205 = arith.addf %get3A_193, %add3A_204 : vector<16xf32>
    %bitcast_convert_type3A_206 = tpu.bitcast %add3A_205 : vector<16xf32> -> vector<16xi32>
    %convert_element_type3A_207 = arith.sitofp %bitcast_convert_type3A_206 : vector<16xi32> to vector<16xf32>
    %sub3A_208 = arith.constant 1.06486682E+9 : f32
    %sub3A_209 = vector.broadcast %sub3A_208 : f32 to vector<16xf32>
    %sub3A_210 = arith.subf %convert_element_type3A_207, %sub3A_209 : vector<16xf32>
    %mul3A_211 = arith.constant 8.26295832E-8 : f32
    %mul3A_212 = vector.broadcast %mul3A_211 : f32 to vector<16xf32>
    %mul3A_213 = arith.mulf %sub3A_210, %mul3A_212 : vector<16xf32>
    %neg3A_214 = arith.constant 0.000000e+00 : f32
    %neg3A_215 = vector.broadcast %neg3A_214 : f32 to vector<16xf32>
    %neg3A_216 = arith.subf %neg3A_215, %mul3A_213 : vector<16xf32>
    %exp3A_217 = math.exp %neg3A_216 : vector<16xf32>
    %mul3A_218 = arith.mulf %add3A_205, %exp3A_217 : vector<16xf32>
    %add3A_219 = arith.addf %mul3A_213, %mul3A_218 : vector<16xf32>
    %sub3A_220 = arith.constant 1.000000e+00 : f32
    %sub3A_221 = vector.broadcast %sub3A_220 : f32 to vector<16xf32>
    %sub3A_222 = arith.subf %add3A_219, %sub3A_221 : vector<16xf32>
    %neg3A_223 = arith.constant 0.000000e+00 : f32
    %neg3A_224 = vector.broadcast %neg3A_223 : f32 to vector<16xf32>
    %neg3A_225 = arith.subf %neg3A_224, %sub3A_222 : vector<16xf32>
    %exp3A_226 = math.exp %neg3A_225 : vector<16xf32>
    %mul3A_227 = arith.mulf %add3A_205, %exp3A_226 : vector<16xf32>
    %add3A_228 = arith.addf %sub3A_222, %mul3A_227 : vector<16xf32>
    %sub3A_229 = arith.constant 1.000000e+00 : f32
    %sub3A_230 = vector.broadcast %sub3A_229 : f32 to vector<16xf32>
    %sub3A_231 = arith.subf %add3A_228, %sub3A_230 : vector<16xf32>
    %neg3A_232 = arith.constant 0.000000e+00 : f32
    %neg3A_233 = vector.broadcast %neg3A_232 : f32 to vector<16xf32>
    %neg3A_234 = arith.subf %neg3A_233, %sub3A_231 : vector<16xf32>
    %exp3A_235 = math.exp %neg3A_234 : vector<16xf32>
    %mul3A_236 = arith.mulf %add3A_205, %exp3A_235 : vector<16xf32>
    %add3A_237 = arith.addf %sub3A_231, %mul3A_236 : vector<16xf32>
    %sub3A_238 = arith.constant 1.000000e+00 : f32
    %sub3A_239 = vector.broadcast %sub3A_238 : f32 to vector<16xf32>
    %sub3A_240 = arith.subf %add3A_237, %sub3A_239 : vector<16xf32>
    %select_n3A_241 = arith.select %gt3A_200, %sub3A_240, %broadcast_in_dim3A_202 : vector<16xi1>, vector<16xf32>
    %add3A_242 = arith.addf %add3A_187, %select_n3A_241 : vector<16xf32>
    %broadcast_in_dim3A_243 = arith.constant 1.000000e+00 : f32
    %broadcast_in_dim3A_244 = vector.broadcast %broadcast_in_dim3A_243 : f32 to vector<16xf32>
    %select_n3A_245 = arith.select %gt3A_200, %broadcast_in_dim3A_244, %broadcast_in_dim3A_202 : vector<16xi1>, vector<16xf32>
    %add3A_246 = arith.addf %add3A_191, %select_n3A_245 : vector<16xf32>
    %get3A_247 = arith.constant 0 : index
    %get3A_248 = tpu.vector_load %arg12[%get3A_247] {strides = array<i32>} : memref<16xf32, #tpu.memory_space<vmem>>, vector<16xf32>,
    %sub3A_249 = arith.subf %add3A_242, %get3A_248 : vector<16xf32>
    %swap3A_250 = arith.constant 0 : index
    %swap3A_251 = tpu.vector_load %arg12[%swap3A_250] {strides = array<i32>} : memref<16xf32, #tpu.memory_space<vmem>>, vector<16xf32>,
    tpu.vector_store %arg12[%swap3A_250], %sub3A_249 {strides = array<i32>} : memref<16xf32, #tpu.memory_space<vmem>>, vector<16xf32>,
    "tpu.region"() ({
      %run_scoped3A = tpu.sem_alloc : memref<!tpu.dma_semaphore, #tpu.memory_space<semaphore_mem>>
      %dma_start3A = arith.constant 0 : i32
      %dma_start3A_254 = tpu.memref_slice %arg6[%add3A, %dma_start3A] : memref<32x16xf32, #tpu.memory_space<hbm>> -> memref<1x16xf32, #tpu.memory_space<hbm>>
      %dma_start3A_255 = tpu.memref_squeeze %dma_start3A_254 : memref<1x16xf32, #tpu.memory_space<hbm>> -> memref<16xf32, #tpu.memory_space<hbm>>
      %dma_start3A_256 = arith.constant 0 : i32
      %dma_start3A_257 = tpu.memref_slice %arg6[%add3A, %dma_start3A_256] : memref<32x16xf32, #tpu.memory_space<hbm>> -> memref<1x16xf32, #tpu.memory_space<hbm>>
      %dma_start3A_258 = tpu.memref_squeeze %dma_start3A_257 : memref<1x16xf32, #tpu.memory_space<hbm>> -> memref<16xf32, #tpu.memory_space<hbm>>
      tpu.enqueue_dma source(%arg12 : memref<16xf32, #tpu.memory_space<vmem>>) target(%dma_start3A_258 : memref<16xf32, #tpu.memory_space<hbm>>) target_semaphore(%run_scoped3A : memref<!tpu.dma_semaphore, #tpu.memory_space<semaphore_mem>>)
      %dma_wait3A = arith.constant 0 : i32
      %dma_wait3A_259 = tpu.memref_slice %arg6[%add3A, %dma_wait3A] : memref<32x16xf32, #tpu.memory_space<hbm>> -> memref<1x16xf32, #tpu.memory_space<hbm>>
      %dma_wait3A_260 = tpu.memref_squeeze %dma_wait3A_259 : memref<1x16xf32, #tpu.memory_space<hbm>> -> memref<16xf32, #tpu.memory_space<hbm>>
      %dma_wait3A_261 = arith.constant 0 : i32
      %dma_wait3A_262 = tpu.memref_slice %arg6[%add3A, %dma_wait3A_261] : memref<32x16xf32, #tpu.memory_space<hbm>> -> memref<1x16xf32, #tpu.memory_space<hbm>>
      %dma_wait3A_263 = tpu.memref_squeeze %dma_wait3A_262 : memref<1x16xf32, #tpu.memory_space<hbm>> -> memref<16xf32, #tpu.memory_space<hbm>>
      tpu.wait_dma2 semaphore(%run_scoped3A : memref<!tpu.dma_semaphore, #tpu.memory_space<semaphore_mem>>) src(%arg12 : memref<16xf32, #tpu.memory_space<vmem>>) dst(%dma_wait3A_263 : memref<16xf32, #tpu.memory_space<hbm>>)
      tpu.yield
    }) : () -> ()
    %swap3A_252 = arith.constant 0 : index
    %swap3A_253 = tpu.vector_load %arg12[%swap3A_252] {strides = array<i32>} : memref<16xf32, #tpu.memory_space<vmem>>, vector<16xf32>,
    tpu.vector_store %arg12[%swap3A_252], %add3A_246 {strides = array<i32>} : memref<16xf32, #tpu.memory_space<vmem>>, vector<16xf32>,
    "tpu.region"() ({
      %run_scoped3A = tpu.sem_alloc : memref<!tpu.dma_semaphore, #tpu.memory_space<semaphore_mem>>
      %dma_start3A = arith.constant 0 : i32
      %dma_start3A_254 = tpu.memref_slice %arg7[%add3A, %dma_start3A] : memref<32x16xf32, #tpu.memory_space<hbm>> -> memref<1x16xf32, #tpu.memory_space<hbm>>
      %dma_start3A_255 = tpu.memref_squeeze %dma_start3A_254 : memref<1x16xf32, #tpu.memory_space<hbm>> -> memref<16xf32, #tpu.memory_space<hbm>>
      %dma_start3A_256 = arith.constant 0 : i32
      %dma_start3A_257 = tpu.memref_slice %arg7[%add3A, %dma_start3A_256] : memref<32x16xf32, #tpu.memory_space<hbm>> -> memref<1x16xf32, #tpu.memory_space<hbm>>
      %dma_start3A_258 = tpu.memref_squeeze %dma_start3A_257 : memref<1x16xf32, #tpu.memory_space<hbm>> -> memref<16xf32, #tpu.memory_space<hbm>>
      tpu.enqueue_dma source(%arg12 : memref<16xf32, #tpu.memory_space<vmem>>) target(%dma_start3A_258 : memref<16xf32, #tpu.memory_space<hbm>>) target_semaphore(%run_scoped3A : memref<!tpu.dma_semaphore, #tpu.memory_space<semaphore_mem>>)
      %dma_wait3A = arith.constant 0 : i32
      %dma_wait3A_259 = tpu.memref_slice %arg7[%add3A, %dma_wait3A] : memref<32x16xf32, #tpu.memory_space<hbm>> -> memref<1x16xf32, #tpu.memory_space<hbm>>
      %dma_wait3A_260 = tpu.memref_squeeze %dma_wait3A_259 : memref<1x16xf32, #tpu.memory_space<hbm>> -> memref<16xf32, #tpu.memory_space<hbm>>
      %dma_wait3A_261 = arith.constant 0 : i32
      %dma_wait3A_262 = tpu.memref_slice %arg7[%add3A, %dma_wait3A_261] : memref<32x16xf32, #tpu.memory_space<hbm>> -> memref<1x16xf32, #tpu.memory_space<hbm>>
      %dma_wait3A_263 = tpu.memref_squeeze %dma_wait3A_262 : memref<1x16xf32, #tpu.memory_space<hbm>> -> memref<16xf32, #tpu.memory_space<hbm>>
      tpu.wait_dma2 semaphore(%run_scoped3A : memref<!tpu.dma_semaphore, #tpu.memory_space<semaphore_mem>>) src(%arg12 : memref<16xf32, #tpu.memory_space<vmem>>) dst(%dma_wait3A_263 : memref<16xf32, #tpu.memory_space<hbm>>)
      tpu.yield
    }) : () -> ()
    return
  }
}

#map = affine_map<(d0, d1) -> (0, 0)>
module attributes {stable_mosaic.version = 14 : i64} {
  func.func @_sc_dent_body(%arg0: i32, %arg1: i32, %arg2: memref<512x128xf32, #tpu.memory_space<hbm>>, %arg3: memref<512x128xi32, #tpu.memory_space<hbm>>, %arg4: memref<2x2048xf32, #tpu.memory_space<hbm>>, %arg5: memref<16x128xf32, #tpu.memory_space<vmem>>, %arg6: memref<16x128xi32, #tpu.memory_space<vmem>>, %arg7: memref<2048xf32, #tpu.memory_space<vmem>>, %arg8: memref<2048xf32, #tpu.memory_space<vmem_shared>>) attributes {dimension_semantics = [#tpu.dimension_semantics<core_parallel>, #tpu.dimension_semantics<subcore_parallel>], iteration_bounds = array<i64: 2, 16>, scalar_prefetch = 0 : i64, scratch_operands = 4 : i64, tpu.core_type = #tpu.core_type<sc_vector_subcore>, window_params = [{transform_indices = #map}, {transform_indices = #map}, {transform_indices = #map}]} {
    %mul3A = arith.constant 256 : i32
    %mul3A_0 = arith.muli %arg0, %mul3A : i32
    %mul3A_1 = arith.constant 16 : i32
    %mul3A_2 = arith.muli %arg1, %mul3A_1 : i32
    %add3A = arith.addi %mul3A_0, %mul3A_2 : i32
    "tpu.region"() ({
      %run_scoped3A = tpu.sem_alloc : memref<!tpu.dma_semaphore, #tpu.memory_space<semaphore_mem>>
      %dma_start3A = arith.constant 0 : i32
      %dma_start3A_24 = tpu.memref_slice %arg2[%add3A, %dma_start3A] : memref<512x128xf32, #tpu.memory_space<hbm>> -> memref<16x128xf32, #tpu.memory_space<hbm>>
      %dma_start3A_25 = arith.constant 0 : i32
      %dma_start3A_26 = tpu.memref_slice %arg2[%add3A, %dma_start3A_25] : memref<512x128xf32, #tpu.memory_space<hbm>> -> memref<16x128xf32, #tpu.memory_space<hbm>>
      tpu.enqueue_dma source(%dma_start3A_26 : memref<16x128xf32, #tpu.memory_space<hbm>>) target(%arg5 : memref<16x128xf32, #tpu.memory_space<vmem>>) target_semaphore(%run_scoped3A : memref<!tpu.dma_semaphore, #tpu.memory_space<semaphore_mem>>)
      %dma_wait3A = arith.constant 0 : i32
      %dma_wait3A_27 = tpu.memref_slice %arg2[%add3A, %dma_wait3A] : memref<512x128xf32, #tpu.memory_space<hbm>> -> memref<16x128xf32, #tpu.memory_space<hbm>>
      %dma_wait3A_28 = arith.constant 0 : i32
      %dma_wait3A_29 = tpu.memref_slice %arg2[%add3A, %dma_wait3A_28] : memref<512x128xf32, #tpu.memory_space<hbm>> -> memref<16x128xf32, #tpu.memory_space<hbm>>
      tpu.wait_dma2 semaphore(%run_scoped3A : memref<!tpu.dma_semaphore, #tpu.memory_space<semaphore_mem>>) src(%dma_wait3A_29 : memref<16x128xf32, #tpu.memory_space<hbm>>) dst(%arg5 : memref<16x128xf32, #tpu.memory_space<vmem>>)
      tpu.yield
    }) : () -> ()
    "tpu.region"() ({
      %run_scoped3A = tpu.sem_alloc : memref<!tpu.dma_semaphore, #tpu.memory_space<semaphore_mem>>
      %dma_start3A = arith.constant 0 : i32
      %dma_start3A_24 = tpu.memref_slice %arg3[%add3A, %dma_start3A] : memref<512x128xi32, #tpu.memory_space<hbm>> -> memref<16x128xi32, #tpu.memory_space<hbm>>
      %dma_start3A_25 = arith.constant 0 : i32
      %dma_start3A_26 = tpu.memref_slice %arg3[%add3A, %dma_start3A_25] : memref<512x128xi32, #tpu.memory_space<hbm>> -> memref<16x128xi32, #tpu.memory_space<hbm>>
      tpu.enqueue_dma source(%dma_start3A_26 : memref<16x128xi32, #tpu.memory_space<hbm>>) target(%arg6 : memref<16x128xi32, #tpu.memory_space<vmem>>) target_semaphore(%run_scoped3A : memref<!tpu.dma_semaphore, #tpu.memory_space<semaphore_mem>>)
      %dma_wait3A = arith.constant 0 : i32
      %dma_wait3A_27 = tpu.memref_slice %arg3[%add3A, %dma_wait3A] : memref<512x128xi32, #tpu.memory_space<hbm>> -> memref<16x128xi32, #tpu.memory_space<hbm>>
      %dma_wait3A_28 = arith.constant 0 : i32
      %dma_wait3A_29 = tpu.memref_slice %arg3[%add3A, %dma_wait3A_28] : memref<512x128xi32, #tpu.memory_space<hbm>> -> memref<16x128xi32, #tpu.memory_space<hbm>>
      tpu.wait_dma2 semaphore(%run_scoped3A : memref<!tpu.dma_semaphore, #tpu.memory_space<semaphore_mem>>) src(%dma_wait3A_29 : memref<16x128xi32, #tpu.memory_space<hbm>>) dst(%arg6 : memref<16x128xi32, #tpu.memory_space<vmem>>)
      tpu.yield
    }) : () -> ()
    %scan3A = arith.constant 0 : i32
    %scan3A_3 = arith.constant 0 : i32
    %scan3A_4 = arith.constant 16 : i32
    %scan3A_5 = arith.addi %scan3A_3, %scan3A_4 : i32
    %scan3A_6 = arith.constant 1 : i32
    %scan3A_7 = scf.for %scan3A_24 = %scan3A_3 to %scan3A_5 step %scan3A_6 iter_args(%scan3A_25 = %scan3A) -> (i32)  : i32 {
      %get3A = arith.index_cast %scan3A_24 : i32 to index
      %get3A_26 = arith.constant 0 : index
      %get3A_27 = tpu.vector_load %arg5[%get3A, %get3A_26] {strides = array<i32>} : memref<16x128xf32, #tpu.memory_space<vmem>>, vector<16xf32>,
      %exp3A = math.exp %get3A_27 : vector<16xf32>
      %swap3A = arith.index_cast %scan3A_24 : i32 to index
      %swap3A_28 = arith.constant 0 : index
      %swap3A_29 = tpu.vector_load %arg5[%swap3A, %swap3A_28] {strides = array<i32>} : memref<16x128xf32, #tpu.memory_space<vmem>>, vector<16xf32>,
      tpu.vector_store %arg5[%swap3A, %swap3A_28], %exp3A {strides = array<i32>} : memref<16x128xf32, #tpu.memory_space<vmem>>, vector<16xf32>,
      %get3A_30 = arith.index_cast %scan3A_24 : i32 to index
      %get3A_31 = arith.constant 16 : index
      %get3A_32 = tpu.vector_load %arg5[%get3A_30, %get3A_31] {strides = array<i32>} : memref<16x128xf32, #tpu.memory_space<vmem>>, vector<16xf32>,
      %exp3A_33 = math.exp %get3A_32 : vector<16xf32>
      %swap3A_34 = arith.index_cast %scan3A_24 : i32 to index
      %swap3A_35 = arith.constant 16 : index
      %swap3A_36 = tpu.vector_load %arg5[%swap3A_34, %swap3A_35] {strides = array<i32>} : memref<16x128xf32, #tpu.memory_space<vmem>>, vector<16xf32>,
      tpu.vector_store %arg5[%swap3A_34, %swap3A_35], %exp3A_33 {strides = array<i32>} : memref<16x128xf32, #tpu.memory_space<vmem>>, vector<16xf32>,
      %get3A_37 = arith.index_cast %scan3A_24 : i32 to index
      %get3A_38 = arith.constant 32 : index
      %get3A_39 = tpu.vector_load %arg5[%get3A_37, %get3A_38] {strides = array<i32>} : memref<16x128xf32, #tpu.memory_space<vmem>>, vector<16xf32>,
      %exp3A_40 = math.exp %get3A_39 : vector<16xf32>
      %swap3A_41 = arith.index_cast %scan3A_24 : i32 to index
      %swap3A_42 = arith.constant 32 : index
      %swap3A_43 = tpu.vector_load %arg5[%swap3A_41, %swap3A_42] {strides = array<i32>} : memref<16x128xf32, #tpu.memory_space<vmem>>, vector<16xf32>,
      tpu.vector_store %arg5[%swap3A_41, %swap3A_42], %exp3A_40 {strides = array<i32>} : memref<16x128xf32, #tpu.memory_space<vmem>>, vector<16xf32>,
      %get3A_44 = arith.index_cast %scan3A_24 : i32 to index
      %get3A_45 = arith.constant 48 : index
      %get3A_46 = tpu.vector_load %arg5[%get3A_44, %get3A_45] {strides = array<i32>} : memref<16x128xf32, #tpu.memory_space<vmem>>, vector<16xf32>,
      %exp3A_47 = math.exp %get3A_46 : vector<16xf32>
      %swap3A_48 = arith.index_cast %scan3A_24 : i32 to index
      %swap3A_49 = arith.constant 48 : index
      %swap3A_50 = tpu.vector_load %arg5[%swap3A_48, %swap3A_49] {strides = array<i32>} : memref<16x128xf32, #tpu.memory_space<vmem>>, vector<16xf32>,
      tpu.vector_store %arg5[%swap3A_48, %swap3A_49], %exp3A_47 {strides = array<i32>} : memref<16x128xf32, #tpu.memory_space<vmem>>, vector<16xf32>,
      %get3A_51 = arith.index_cast %scan3A_24 : i32 to index
      %get3A_52 = arith.constant 64 : index
      %get3A_53 = tpu.vector_load %arg5[%get3A_51, %get3A_52] {strides = array<i32>} : memref<16x128xf32, #tpu.memory_space<vmem>>, vector<16xf32>,
      %exp3A_54 = math.exp %get3A_53 : vector<16xf32>
      %swap3A_55 = arith.index_cast %scan3A_24 : i32 to index
      %swap3A_56 = arith.constant 64 : index
      %swap3A_57 = tpu.vector_load %arg5[%swap3A_55, %swap3A_56] {strides = array<i32>} : memref<16x128xf32, #tpu.memory_space<vmem>>, vector<16xf32>,
      tpu.vector_store %arg5[%swap3A_55, %swap3A_56], %exp3A_54 {strides = array<i32>} : memref<16x128xf32, #tpu.memory_space<vmem>>, vector<16xf32>,
      %get3A_58 = arith.index_cast %scan3A_24 : i32 to index
      %get3A_59 = arith.constant 80 : index
      %get3A_60 = tpu.vector_load %arg5[%get3A_58, %get3A_59] {strides = array<i32>} : memref<16x128xf32, #tpu.memory_space<vmem>>, vector<16xf32>,
      %exp3A_61 = math.exp %get3A_60 : vector<16xf32>
      %swap3A_62 = arith.index_cast %scan3A_24 : i32 to index
      %swap3A_63 = arith.constant 80 : index
      %swap3A_64 = tpu.vector_load %arg5[%swap3A_62, %swap3A_63] {strides = array<i32>} : memref<16x128xf32, #tpu.memory_space<vmem>>, vector<16xf32>,
      tpu.vector_store %arg5[%swap3A_62, %swap3A_63], %exp3A_61 {strides = array<i32>} : memref<16x128xf32, #tpu.memory_space<vmem>>, vector<16xf32>,
      %get3A_65 = arith.index_cast %scan3A_24 : i32 to index
      %get3A_66 = arith.constant 96 : index
      %get3A_67 = tpu.vector_load %arg5[%get3A_65, %get3A_66] {strides = array<i32>} : memref<16x128xf32, #tpu.memory_space<vmem>>, vector<16xf32>,
      %exp3A_68 = math.exp %get3A_67 : vector<16xf32>
      %swap3A_69 = arith.index_cast %scan3A_24 : i32 to index
      %swap3A_70 = arith.constant 96 : index
      %swap3A_71 = tpu.vector_load %arg5[%swap3A_69, %swap3A_70] {strides = array<i32>} : memref<16x128xf32, #tpu.memory_space<vmem>>, vector<16xf32>,
      tpu.vector_store %arg5[%swap3A_69, %swap3A_70], %exp3A_68 {strides = array<i32>} : memref<16x128xf32, #tpu.memory_space<vmem>>, vector<16xf32>,
      %get3A_72 = arith.index_cast %scan3A_24 : i32 to index
      %get3A_73 = arith.constant 112 : index
      %get3A_74 = tpu.vector_load %arg5[%get3A_72, %get3A_73] {strides = array<i32>} : memref<16x128xf32, #tpu.memory_space<vmem>>, vector<16xf32>,
      %exp3A_75 = math.exp %get3A_74 : vector<16xf32>
      %swap3A_76 = arith.index_cast %scan3A_24 : i32 to index
      %swap3A_77 = arith.constant 112 : index
      %swap3A_78 = tpu.vector_load %arg5[%swap3A_76, %swap3A_77] {strides = array<i32>} : memref<16x128xf32, #tpu.memory_space<vmem>>, vector<16xf32>,
      tpu.vector_store %arg5[%swap3A_76, %swap3A_77], %exp3A_75 {strides = array<i32>} : memref<16x128xf32, #tpu.memory_space<vmem>>, vector<16xf32>,
      %scan3A_79 = arith.constant 0 : i32
      scf.yield %scan3A_79 : i32
    }
    %scan3A_8 = arith.constant 16 : i32
    %eq3A = arith.constant 0 : i32
    %eq3A_9 = arith.cmpi eq, %arg1, %eq3A : i32
    %convert_element_type3A = arith.extui %eq3A_9 : i1 to i32
    %cond3A = arith.constant 0 : i32
    %cond3A_10 = arith.cmpi ne, %convert_element_type3A, %cond3A : i32
    scf.if %cond3A_10 {
      %scan3A_24 = arith.constant 0 : i32
      %scan3A_25 = arith.constant 0 : i32
      %scan3A_26 = arith.constant 128 : i32
      %scan3A_27 = arith.addi %scan3A_25, %scan3A_26 : i32
      %scan3A_28 = arith.constant 1 : i32
      %scan3A_29 = scf.for %scan3A_31 = %scan3A_25 to %scan3A_27 step %scan3A_28 iter_args(%scan3A_32 = %scan3A_24) -> (i32)  : i32 {
        %broadcast_in_dim3A = arith.constant 0.000000e+00 : f32
        %broadcast_in_dim3A_33 = vector.broadcast %broadcast_in_dim3A : f32 to vector<16xf32>
        %mul3A_34 = arith.constant 16 : i32
        %mul3A_35 = arith.muli %mul3A_34, %scan3A_31 : i32
        %swap3A = arith.index_cast %mul3A_35 : i32 to index
        %swap3A_36 = tpu.vector_load %arg7[%swap3A] {strides = array<i32>} : memref<2048xf32, #tpu.memory_space<vmem>>, vector<16xf32>,
        tpu.vector_store %arg7[%swap3A], %broadcast_in_dim3A_33 {strides = array<i32>} : memref<2048xf32, #tpu.memory_space<vmem>>, vector<16xf32>,
        %scan3A_37 = arith.constant 0 : i32
        scf.yield %scan3A_37 : i32
      }
      %scan3A_30 = arith.constant 128 : i32
      "tpu.region"() ({
        %run_scoped3A = tpu.sem_alloc : memref<!tpu.dma_semaphore, #tpu.memory_space<semaphore_mem>>
        tpu.enqueue_dma source(%arg7 : memref<2048xf32, #tpu.memory_space<vmem>>) target(%arg8 : memref<2048xf32, #tpu.memory_space<vmem_shared>>) target_semaphore(%run_scoped3A : memref<!tpu.dma_semaphore, #tpu.memory_space<semaphore_mem>>)
        tpu.wait_dma2 semaphore(%run_scoped3A : memref<!tpu.dma_semaphore, #tpu.memory_space<semaphore_mem>>) src(%arg7 : memref<2048xf32, #tpu.memory_space<vmem>>) dst(%arg8 : memref<2048xf32, #tpu.memory_space<vmem_shared>>)
        tpu.yield
      }) : () -> ()
    } else {
    }
    %barrier3A = arith.constant 0 : index
    tpu.barrier barrier_id(%barrier3A)
    %scan3A_11 = arith.constant 0 : i32
    %scan3A_12 = arith.constant 0 : i32
    %scan3A_13 = arith.constant 16 : i32
    %scan3A_14 = arith.addi %scan3A_12, %scan3A_13 : i32
    %scan3A_15 = arith.constant 1 : i32
    %scan3A_16 = scf.for %scan3A_24 = %scan3A_12 to %scan3A_14 step %scan3A_15 iter_args(%scan3A_25 = %scan3A_11) -> (i32)  : i32 {
      "tpu.region"() ({
        %run_scoped3A = tpu.sem_alloc : memref<!tpu.dma_semaphore, #tpu.memory_space<semaphore_mem>>
        %dma_start3A = arith.constant 0 : i32
        %dma_start3A_27 = tpu.memref_slice %arg5[%scan3A_24, %dma_start3A] : memref<16x128xf32, #tpu.memory_space<vmem>> -> memref<1x128xf32, #tpu.memory_space<vmem>>
        %dma_start3A_28 = tpu.memref_squeeze %dma_start3A_27 : memref<1x128xf32, #tpu.memory_space<vmem>> -> memref<128xf32, #tpu.memory_space<vmem>>
        %dma_start3A_29 = arith.constant 0 : i32
        %dma_start3A_30 = tpu.memref_slice %arg6[%scan3A_24, %dma_start3A_29] : memref<16x128xi32, #tpu.memory_space<vmem>> -> memref<1x128xi32, #tpu.memory_space<vmem>>
        %dma_start3A_31 = tpu.memref_squeeze %dma_start3A_30 : memref<1x128xi32, #tpu.memory_space<vmem>> -> memref<128xi32, #tpu.memory_space<vmem>>
        %dma_start3A_32 = arith.constant 0 : i32
        %dma_start3A_33 = tpu.memref_slice %arg8[%dma_start3A_32] : memref<2048xf32, #tpu.memory_space<vmem_shared>> -> memref<2048xf32, #tpu.memory_space<vmem_shared>>
        tpu.enqueue_indirect_dma source(%dma_start3A_28 : memref<128xf32, #tpu.memory_space<vmem>>) target(%dma_start3A_33 : memref<2048xf32, #tpu.memory_space<vmem_shared>>) offsets(%dma_start3A_31 : memref<128xi32, #tpu.memory_space<vmem>>) semaphore(%run_scoped3A : memref<!tpu.dma_semaphore, #tpu.memory_space<semaphore_mem>>) {add = true}
        %dma_wait3A = arith.constant 0 : i32
        %dma_wait3A_34 = tpu.memref_slice %arg5[%scan3A_24, %dma_wait3A] : memref<16x128xf32, #tpu.memory_space<vmem>> -> memref<1x128xf32, #tpu.memory_space<vmem>>
        %dma_wait3A_35 = tpu.memref_squeeze %dma_wait3A_34 : memref<1x128xf32, #tpu.memory_space<vmem>> -> memref<128xf32, #tpu.memory_space<vmem>>
        %dma_wait3A_36 = arith.constant 0 : i32
        %dma_wait3A_37 = tpu.memref_slice %arg6[%scan3A_24, %dma_wait3A_36] : memref<16x128xi32, #tpu.memory_space<vmem>> -> memref<1x128xi32, #tpu.memory_space<vmem>>
        %dma_wait3A_38 = tpu.memref_squeeze %dma_wait3A_37 : memref<1x128xi32, #tpu.memory_space<vmem>> -> memref<128xi32, #tpu.memory_space<vmem>>
        %dma_wait3A_39 = arith.constant 0 : i32
        %dma_wait3A_40 = tpu.memref_slice %arg8[%dma_wait3A_39] : memref<2048xf32, #tpu.memory_space<vmem_shared>> -> memref<2048xf32, #tpu.memory_space<vmem_shared>>
        tpu.wait_indirect_dma semaphore(%run_scoped3A : memref<!tpu.dma_semaphore, #tpu.memory_space<semaphore_mem>>) src(%dma_wait3A_35 : memref<128xf32, #tpu.memory_space<vmem>>) dst(%dma_wait3A_40 : memref<2048xf32, #tpu.memory_space<vmem_shared>>)
        tpu.yield
      }) : () -> ()
      %scan3A_26 = arith.constant 0 : i32
      scf.yield %scan3A_26 : i32
    }
    %scan3A_17 = arith.constant 16 : i32
    %barrier3A_18 = arith.constant 0 : index
    tpu.barrier barrier_id(%barrier3A_18)
    %eq3A_19 = arith.constant 0 : i32
    %eq3A_20 = arith.cmpi eq, %arg1, %eq3A_19 : i32
    %convert_element_type3A_21 = arith.extui %eq3A_20 : i1 to i32
    %cond3A_22 = arith.constant 0 : i32
    %cond3A_23 = arith.cmpi ne, %convert_element_type3A_21, %cond3A_22 : i32
    scf.if %cond3A_23 {
      "tpu.region"() ({
        %run_scoped3A = tpu.sem_alloc : memref<!tpu.dma_semaphore, #tpu.memory_space<semaphore_mem>>
        %dma_start3A = arith.constant 0 : i32
        %dma_start3A_24 = tpu.memref_slice %arg4[%arg0, %dma_start3A] : memref<2x2048xf32, #tpu.memory_space<hbm>> -> memref<1x2048xf32, #tpu.memory_space<hbm>>
        %dma_start3A_25 = tpu.memref_squeeze %dma_start3A_24 : memref<1x2048xf32, #tpu.memory_space<hbm>> -> memref<2048xf32, #tpu.memory_space<hbm>>
        tpu.enqueue_dma source(%arg8 : memref<2048xf32, #tpu.memory_space<vmem_shared>>) target(%dma_start3A_25 : memref<2048xf32, #tpu.memory_space<hbm>>) target_semaphore(%run_scoped3A : memref<!tpu.dma_semaphore, #tpu.memory_space<semaphore_mem>>)
        %dma_wait3A = arith.constant 0 : i32
        %dma_wait3A_26 = tpu.memref_slice %arg4[%arg0, %dma_wait3A] : memref<2x2048xf32, #tpu.memory_space<hbm>> -> memref<1x2048xf32, #tpu.memory_space<hbm>>
        %dma_wait3A_27 = tpu.memref_squeeze %dma_wait3A_26 : memref<1x2048xf32, #tpu.memory_space<hbm>> -> memref<2048xf32, #tpu.memory_space<hbm>>
        tpu.wait_dma2 semaphore(%run_scoped3A : memref<!tpu.dma_semaphore, #tpu.memory_space<semaphore_mem>>) src(%arg8 : memref<2048xf32, #tpu.memory_space<vmem_shared>>) dst(%dma_wait3A_27 : memref<2048xf32, #tpu.memory_space<hbm>>)
        tpu.yield
      }) : () -> ()
    } else {
    }
    return
  }
}

module attributes {stable_mosaic.version = 14 : i64} {
  func.func @_mlp_body(%arg0: i32, %arg1: memref<8192x256xf32, #tpu.memory_space<vmem>>, %arg2: memref<1x1x8192xf32, #tpu.memory_space<vmem>>, %arg3: memref<256x256xf32, #tpu.memory_space<vmem>>, %arg4: memref<1x256xf32, #tpu.memory_space<vmem>>, %arg5: memref<256x256xf32, #tpu.memory_space<vmem>>, %arg6: memref<1x256xf32, #tpu.memory_space<vmem>>, %arg7: memref<1x256xf32, #tpu.memory_space<vmem>>, %arg8: memref<1xf32, #tpu.memory_space<smem>>, %arg9: memref<1x1x8192xf32, #tpu.memory_space<vmem>>, %arg10: memref<1x1x8192xf32, #tpu.memory_space<vmem>>) attributes {dimension_semantics = [#tpu.dimension_semantics<arbitrary>], iteration_bounds = array<i64: 8>, scalar_prefetch = 0 : i64, scratch_operands = 0 : i64, tpu.core_type = #tpu.core_type<tc>, window_params = [{transform_indices = @transform_0, window_bounds = array<i64: 8192, 256>}, {transform_indices = @transform_1, window_bounds = array<i64: 1, 1, 8192>}, {pipeline_mode = #tpu.pipeline_mode<synchronous>, transform_indices = @transform_2, window_bounds = array<i64: 256, 256>}, {pipeline_mode = #tpu.pipeline_mode<synchronous>, transform_indices = @transform_3, window_bounds = array<i64: 1, 256>}, {pipeline_mode = #tpu.pipeline_mode<synchronous>, transform_indices = @transform_4, window_bounds = array<i64: 256, 256>}, {pipeline_mode = #tpu.pipeline_mode<synchronous>, transform_indices = @transform_5, window_bounds = array<i64: 1, 256>}, {pipeline_mode = #tpu.pipeline_mode<synchronous>, transform_indices = @transform_6, window_bounds = array<i64: 1, 256>}, {transform_indices = @transform_7, window_bounds = array<i64: 1>}, {transform_indices = @transform_8, window_bounds = array<i64: 1, 1, 8192>}, {transform_indices = @transform_9, window_bounds = array<i64: 1, 1, 8192>}]} {
    %get3A = arith.constant 0 : index
    %get3A_0 = arith.constant 0 : index
    %get3A_1 = vector.load %arg1[%get3A, %get3A_0] : memref<8192x256xf32, #tpu.memory_space<vmem>>, vector<8192x256xf32>
    %convert_element_type3A = arith.truncf %get3A_1 : vector<8192x256xf32> to vector<8192x256xbf16>
    %get3A_2 = arith.constant 0 : index
    %get3A_3 = arith.constant 0 : index
    %get3A_4 = vector.load %arg3[%get3A_2, %get3A_3] : memref<256x256xf32, #tpu.memory_space<vmem>>, vector<256x256xf32>
    %mul3A = arith.constant 5.000000e-01 : f32
    %mul3A_5 = vector.broadcast %mul3A : f32 to vector<256x256xf32>
    %mul3A_6 = arith.mulf %get3A_4, %mul3A_5 : vector<256x256xf32>
    %convert_element_type3A_7 = arith.truncf %mul3A_6 : vector<256x256xf32> to vector<256x256xbf16>
    %dot_general3A = arith.constant dense<0.000000e+00> : vector<8192x256xf32>
    %dot_general3A_8 = tpu.matmul %convert_element_type3A, %convert_element_type3A_7, %dot_general3A {dimension_numbers = #tpu.dot_dimension_numbers<[1], [0], [0], [1], [0, 0, 1, 1], [], []>, transpose_lhs_hint = false} : vector<8192x256xbf16>, vector<256x256xbf16>, vector<8192x256xf32> -> vector<8192x256xf32>
    %get3A_9 = arith.constant 0 : index
    %get3A_10 = arith.constant 0 : index
    %get3A_11 = vector.load %arg4[%get3A_9, %get3A_10] : memref<1x256xf32, #tpu.memory_space<vmem>>, vector<1x256xf32>
    %mul3A_12 = arith.constant 5.000000e-01 : f32
    %mul3A_13 = vector.broadcast %mul3A_12 : f32 to vector<1x256xf32>
    %mul3A_14 = arith.mulf %mul3A_13, %get3A_11 : vector<1x256xf32>
    %add3A = vector.broadcast %mul3A_14 : vector<1x256xf32> to vector<8192x256xf32>
    %add3A_15 = arith.addf %dot_general3A_8, %add3A : vector<8192x256xf32>
    %tanh3A = math.tanh %add3A_15 : vector<8192x256xf32>
    %mul3A_16 = arith.mulf %add3A_15, %tanh3A : vector<8192x256xf32>
    %add3A_17 = arith.addf %add3A_15, %mul3A_16 : vector<8192x256xf32>
    %get3A_18 = arith.constant 0 : index
    %get3A_19 = arith.constant 0 : index
    %get3A_20 = vector.load %arg5[%get3A_18, %get3A_19] : memref<256x256xf32, #tpu.memory_space<vmem>>, vector<256x256xf32>
    %mul3A_21 = arith.constant 5.000000e-01 : f32
    %mul3A_22 = vector.broadcast %mul3A_21 : f32 to vector<256x256xf32>
    %mul3A_23 = arith.mulf %get3A_20, %mul3A_22 : vector<256x256xf32>
    %convert_element_type3A_24 = arith.truncf %mul3A_23 : vector<256x256xf32> to vector<256x256xbf16>
    %convert_element_type3A_25 = arith.truncf %add3A_17 : vector<8192x256xf32> to vector<8192x256xbf16>
    %dot_general3A_26 = arith.constant dense<0.000000e+00> : vector<8192x256xf32>
    %dot_general3A_27 = tpu.matmul %convert_element_type3A_25, %convert_element_type3A_24, %dot_general3A_26 {dimension_numbers = #tpu.dot_dimension_numbers<[1], [0], [0], [1], [0, 0, 1, 1], [], []>, transpose_lhs_hint = false} : vector<8192x256xbf16>, vector<256x256xbf16>, vector<8192x256xf32> -> vector<8192x256xf32>
    %get3A_28 = arith.constant 0 : index
    %get3A_29 = arith.constant 0 : index
    %get3A_30 = vector.load %arg6[%get3A_28, %get3A_29] : memref<1x256xf32, #tpu.memory_space<vmem>>, vector<1x256xf32>
    %mul3A_31 = arith.constant 5.000000e-01 : f32
    %mul3A_32 = vector.broadcast %mul3A_31 : f32 to vector<1x256xf32>
    %mul3A_33 = arith.mulf %mul3A_32, %get3A_30 : vector<1x256xf32>
    %add3A_34 = vector.broadcast %mul3A_33 : vector<1x256xf32> to vector<8192x256xf32>
    %add3A_35 = arith.addf %dot_general3A_27, %add3A_34 : vector<8192x256xf32>
    %tanh3A_36 = math.tanh %add3A_35 : vector<8192x256xf32>
    %mul3A_37 = arith.mulf %add3A_35, %tanh3A_36 : vector<8192x256xf32>
    %add3A_38 = arith.addf %add3A_35, %mul3A_37 : vector<8192x256xf32>
    %get3A_39 = arith.constant 0 : index
    %get3A_40 = arith.constant 0 : index
    %get3A_41 = vector.load %arg7[%get3A_39, %get3A_40] : memref<1x256xf32, #tpu.memory_space<vmem>>, vector<1x256xf32>
    %convert_element_type3A_42 = arith.truncf %get3A_41 : vector<1x256xf32> to vector<1x256xbf16>
    %convert_element_type3A_43 = arith.truncf %add3A_38 : vector<8192x256xf32> to vector<8192x256xbf16>
    %dot_general3A_44 = arith.constant dense<0.000000e+00> : vector<1x8192xf32>
    %dot_general3A_45 = tpu.matmul %convert_element_type3A_42, %convert_element_type3A_43, %dot_general3A_44 {dimension_numbers = #tpu.dot_dimension_numbers<[1], [1], [0], [0], [0, 0, 1, 0], [], []>, transpose_lhs_hint = false} : vector<1x256xbf16>, vector<8192x256xbf16>, vector<1x8192xf32> -> vector<1x8192xf32>
    %get3A_46 = arith.constant 0 : index
    %get3A_47 = memref.load %arg8[%get3A_46] : memref<1xf32, #tpu.memory_space<smem>>
    %add3A_48 = vector.broadcast %get3A_47 : f32 to vector<1x8192xf32>
    %add3A_49 = arith.addf %dot_general3A_45, %add3A_48 : vector<1x8192xf32>
    %exp3A = math.exp %add3A_49 : vector<1x8192xf32>
    %broadcast_in_dim3A = vector.shape_cast %exp3A : vector<1x8192xf32> to vector<1x1x8192xf32>
    %swap3A = arith.constant 0 : index
    %swap3A_50 = arith.constant 0 : index
    %swap3A_51 = arith.constant 0 : index
    %swap3A_52 = vector.load %arg9[%swap3A, %swap3A_50, %swap3A_51] : memref<1x1x8192xf32, #tpu.memory_space<vmem>>, vector<1x1x8192xf32>
    tpu.vector_store %arg9[%swap3A, %swap3A_50, %swap3A_51], %broadcast_in_dim3A {strides = array<i32>} : memref<1x1x8192xf32, #tpu.memory_space<vmem>>, vector<1x1x8192xf32>,
    %get3A_53 = arith.constant 0 : index
    %get3A_54 = arith.constant 0 : index
    %get3A_55 = arith.constant 0 : index
    %get3A_56 = vector.load %arg2[%get3A_53, %get3A_54, %get3A_55] : memref<1x1x8192xf32, #tpu.memory_space<vmem>>, vector<1x1x8192xf32>
    %get3A_57 = vector.shape_cast %get3A_56 : vector<1x1x8192xf32> to vector<1x8192xf32>
    %exp3A_58 = math.exp %get3A_57 : vector<1x8192xf32>
    %mul3A_59 = arith.mulf %exp3A_58, %add3A_49 : vector<1x8192xf32>
    %broadcast_in_dim3A_60 = vector.shape_cast %mul3A_59 : vector<1x8192xf32> to vector<1x1x8192xf32>
    %swap3A_61 = arith.constant 0 : index
    %swap3A_62 = arith.constant 0 : index
    %swap3A_63 = arith.constant 0 : index
    %swap3A_64 = vector.load %arg10[%swap3A_61, %swap3A_62, %swap3A_63] : memref<1x1x8192xf32, #tpu.memory_space<vmem>>, vector<1x1x8192xf32>
    tpu.vector_store %arg10[%swap3A_61, %swap3A_62, %swap3A_63], %broadcast_in_dim3A_60 {strides = array<i32>} : memref<1x1x8192xf32, #tpu.memory_space<vmem>>, vector<1x1x8192xf32>,
    return
  }
  func.func @transform_0(%arg0: i32) -> (i32, i32) {
    %c0_i32 = arith.constant 0 : i32
    %c0_i32_0 = arith.constant 0 : i32
    return %arg0, %c0_i32 : i32, i32
  }
  func.func @transform_1(%arg0: i32) -> (i32, i32, i32) {
    %c0_i32 = arith.constant 0 : i32
    %c0_i32_0 = arith.constant 0 : i32
    %c0_i32_1 = arith.constant 0 : i32
    return %arg0, %c0_i32, %c0_i32_0 : i32, i32, i32
  }
  func.func @transform_2(%arg0: i32) -> (i32, i32) {
    %c0_i32 = arith.constant 0 : i32
    %c0_i32_0 = arith.constant 0 : i32
    %c0_i32_1 = arith.constant 0 : i32
    return %c0_i32, %c0_i32_0 : i32, i32
  }
  func.func @transform_3(%arg0: i32) -> (i32, i32) {
    %c0_i32 = arith.constant 0 : i32
    %c0_i32_0 = arith.constant 0 : i32
    %c0_i32_1 = arith.constant 0 : i32
    return %c0_i32, %c0_i32_0 : i32, i32
  }
  func.func @transform_4(%arg0: i32) -> (i32, i32) {
    %c0_i32 = arith.constant 0 : i32
    %c0_i32_0 = arith.constant 0 : i32
    %c0_i32_1 = arith.constant 0 : i32
    return %c0_i32, %c0_i32_0 : i32, i32
  }
  func.func @transform_5(%arg0: i32) -> (i32, i32) {
    %c0_i32 = arith.constant 0 : i32
    %c0_i32_0 = arith.constant 0 : i32
    %c0_i32_1 = arith.constant 0 : i32
    return %c0_i32, %c0_i32_0 : i32, i32
  }
  func.func @transform_6(%arg0: i32) -> (i32, i32) {
    %c0_i32 = arith.constant 0 : i32
    %c0_i32_0 = arith.constant 0 : i32
    %c0_i32_1 = arith.constant 0 : i32
    return %c0_i32, %c0_i32_0 : i32, i32
  }
  func.func @transform_7(%arg0: i32) -> i32 {
    %c0_i32 = arith.constant 0 : i32
    %c0_i32_0 = arith.constant 0 : i32
    return %c0_i32 : i32
  }
  func.func @transform_8(%arg0: i32) -> (i32, i32, i32) {
    %c0_i32 = arith.constant 0 : i32
    %c0_i32_0 = arith.constant 0 : i32
    %c0_i32_1 = arith.constant 0 : i32
    return %arg0, %c0_i32, %c0_i32_0 : i32, i32, i32
  }
  func.func @transform_9(%arg0: i32) -> (i32, i32, i32) {
    %c0_i32 = arith.constant 0 : i32
    %c0_i32_0 = arith.constant 0 : i32
    %c0_i32_1 = arith.constant 0 : i32
    return %arg0, %c0_i32, %c0_i32_0 : i32, i32, i32
  }
}

</mosaic_0001>

<sc_bundles>
// kernel: kernel.5.cloned.1.call-start
scs
__scs_entry_jumppad:
0x0: {  	(pc) =	sbr.rel $0x88, $3  }
0x1: {  	(tag) =	ssettag $0x0;
	lr =	simm.s32 $0x1  }
0x2: {  	[smem:$0x3F98] =	sst lr;
	_ =	strace $0xD0000000  }
0x3: {  	_ = 	snop  }
0x4: {  	_ = 	snop  }
0x5: {  	_ = 	snop  }
0x6: {  	_ = 	snop  }
0x7: {  	_ = 	snop  }
__scs_overlays_trampoline_lowered:
0x8: {  	[smem:$0x3FA7] =	sst s0  }
0x9: {  	[smem:$0x3FA8] =	sst s1  }
0xa: {  	[smem:$0x3FA9] =	sst s2  }
0xb: {  	[smem:$0x3FAA] =	sst s3  }
0xc: {  	[smem:$0x3FAB] =	sst s4  }
0xd: {  	[smem:$0x3FAC] =	sst s5  }
0xe: {  	[smem:$0x3FAD] =	sst s6  }
0xf: {  	[smem:$0x3FAE] =	sst s7  }
0x10: {  	[smem:$0x3FAF] =	sst s8  }
0x11: {  	[smem:$0x3FB0] =	sst s9;
	s0 =	simm.s32 @!p0 $0x0  }
0x12: {  	s1 =	sld [smem:$0x3F96];
	s0 =	simm.s32 @p0 $0x1  }
0x13: {  	[smem:$0x3FB1] =	sst s0;
	s0 =	simm.s32 @!p1 $0x0  }
0x14: {  	s2 =	sld [smem:$0x3F95];
	s0 =	simm.s32 @p1 $0x1  }
0x15: {  	[smem:$0x3FB2] =	sst s0;
	s0 =	simm.s32 @!p2 $0x0  }
0x16: {  	s3 =	sld [smem:$0x3FDB];
	s0 =	simm.s32 @p2 $0x1  }
0x17: {  	s4 =	simm.s32 $0x1BF5;
	[smem:$0x3FB4] =	sst s0  }
0x18: {  	s0 =	sld [smem:$0x3F97];
	_ =	swait.ge [sflag:s4], $0x0  }
0x19: {  	s7 =	sld [smem:$0x3F98]  }
0x1a: {  	s8 =	sadd.s32 $0xFFFFE003, lr  }
0x1b: {  	s9 =	sadd.s32 $0xFFFFFEF7, lr;
	s5 =	simm.s32 $0xFFFFFFFF;
	p2 =	slt.u32 s8, $0xFFFFF086  }
0x1c: {  	p1 =	slt.u32 s9, $0xF7A;
	s5 =	simm.s32 @!p2 $0x0  }
0x1d: {  	s5 =	simm.s32 @p1 $0x1;
	p0 =	seq.s32 s7, s2  }
0x1e: {  	s7 =	smul.u32 @!p0 $0xF7A, s2;
	p2 =	seq.s32 @!p0 s5, $0x0  }
0x1f: {  	s9 =	smul.u32 $0xF7A, s1;
	s8 =	simm.s32 @!p0 $0x1BF5;
	p2 =	por !p2, p0  }
0x20: {  	[sflag:s8] =	ssyncset.s32 @!p0 $0xFFFFF086;
	s6 =	sadd.s32 @!p0 s3, s7;
	s7 =	simm.s32 @!p0 $0x108  }
0x21: {  	s3 =	sadd.s32 s3, s9;
	s6 =	sadd.s32 @!p0 $0x88, s6;
	s7 =	simm.s32 @p2 $0x1082  }
0x22: {  	[simem:s7], [sflag:s8] =	dma.local @!p0 [hbm:s6], $0xF7A  }
0x23: {  	s9 =	sor.u32 $0xD0000000, s2;
	s6 =	simm.s32 $0x108;
	_ =	swait.ge @!p0 [sflag:s8], $0x0  }
0x24: {  	s3 =	sadd.s32 $0x88, s3;
	s6 =	simm.s32 @!p1 $0x1082;
	[sflag:s4] =	ssyncset.s32 $0xFFFFF086  }
0x25: {  	[simem:s6], [sflag:s4] =	dma.local [hbm:s3], $0xF7A  }
0x26: {  	[smem:$0x3F98] =	sst s1;
	(tag) =	ssettag s2;
	_ =	strace s9  }
0x27: {  	s1 =	sld [smem:$0x3FA8]  }
0x28: {  	s2 =	sld [smem:$0x3FA9]  }
0x29: {  	s4 =	sld [smem:$0x3FAB]  }
0x2a: {  	p0 =	seq.s32 s5, $0x0;
	s5 =	sld [smem:$0x3FAC]  }
0x2b: {  	s6 =	sld [smem:$0x3FAD]  }
0x2c: {  	s7 =	sld [smem:$0x3FAE]  }
0x2d: {  	s3 =	simm.s32 $0x108;
	s8 =	sld [smem:$0x3FAF]  }
0x2e: {  	s3 =	simm.s32 @!p0 $0x1082;
	s9 =	sld [smem:$0x3FB0]  }
0x2f: {  	lr =	sadd.s32 s0, s3;
	s0 =	sld [smem:$0x3FA7]  }
0x30: {  	s3 =	sld [smem:$0x3FAA]  }
0x31: {  	[smem:$0x3FB3] =	sst s10  }
0x32: {  	s10 =	sld [smem:$0x3FB1];
	_ =	sdelay $0x3  }
0x33: {  	p0 =	seq.s32 s10, $0x1;
	s10 =	sld [smem:$0x3FB3];
	_ =	sdelay $0x3  }
0x34: {  	[smem:$0x3FB3] =	sst s10  }
0x35: {  	s10 =	sld [smem:$0x3FB2];
	_ =	sdelay $0x3  }
0x36: {  	p1 =	seq.s32 s10, $0x1;
	s10 =	sld [smem:$0x3FB3];
	_ =	sdelay $0x3  }
0x37: {  	[smem:$0x3FB3] =	sst s10  }
0x38: {  	s10 =	sld [smem:$0x3FB4]  }
0x39: {  	_ = 	snop;
	(pc) =	sbr.ind lr, $3  }
0x3a: {  	_ = 	snop  }
0x3b: {  	_ = 	snop  }
0x3c: {  	p2 =	seq.s32 s10, $0x1;
	s10 =	sld [smem:$0x3FB3]  }
0x3d: {  	_ =	shalt  }
0x3e: {  	_ =	shalt  }
0x3f: {  	_ =	shalt  }
0x40: {  	_ =	shalt  }
0x41: {  	_ =	shalt  }
0x42: {  	_ =	shalt  }
0x43: {  	_ =	shalt  }
0x44: {  	_ =	shalt  }
0x45: {  	_ =	shalt  }
0x46: {  	_ =	shalt  }
0x47: {  	_ =	shalt  }
0x48: {  	_ =	shalt  }
0x49: {  	_ =	shalt  }
0x4a: {  	_ =	shalt  }
0x4b: {  	_ =	shalt  }
0x4c: {  	_ =	shalt  }
0x4d: {  	_ =	shalt  }
0x4e: {  	_ =	shalt  }
0x4f: {  	_ =	shalt  }
0x50: {  	_ =	shalt  }
0x51: {  	_ =	shalt  }
0x52: {  	_ =	shalt  }
0x53: {  	_ =	shalt  }
0x54: {  	_ =	shalt  }
0x55: {  	_ =	shalt  }
0x56: {  	_ =	shalt  }
0x57: {  	_ =	shalt  }
0x58: {  	_ =	shalt  }
0x59: {  	_ =	shalt  }
0x5a: {  	_ =	shalt  }
0x5b: {  	_ =	shalt  }
0x5c: {  	_ =	shalt  }
0x5d: {  	_ =	shalt  }
0x5e: {  	_ =	shalt  }
0x5f: {  	_ =	shalt  }
0x60: {  	_ =	shalt  }
0x61: {  	_ =	shalt  }
0x62: {  	_ =	shalt  }
0x63: {  	_ =	shalt  }
0x64: {  	_ =	shalt  }
0x65: {  	_ =	shalt  }
0x66: {  	_ =	shalt  }
0x67: {  	_ =	shalt  }
0x68: {  	_ =	shalt  }
0x69: {  	_ =	shalt  }
0x6a: {  	_ =	shalt  }
0x6b: {  	_ =	shalt  }
0x6c: {  	_ =	shalt  }
0x6d: {  	_ =	shalt  }
0x6e: {  	_ =	shalt  }
0x6f: {  	_ =	shalt  }
0x70: {  	_ =	shalt  }
0x71: {  	_ =	shalt  }
0x72: {  	_ =	shalt  }
0x73: {  	_ =	shalt  }
0x74: {  	_ =	shalt  }
0x75: {  	_ =	shalt  }
0x76: {  	_ =	shalt  }
0x77: {  	_ =	shalt  }
0x78: {  	_ =	shalt  }
0x79: {  	_ =	shalt  }
0x7a: {  	_ =	shalt  }
0x7b: {  	_ =	shalt  }
0x7c: {  	_ =	shalt  }
0x7d: {  	_ =	shalt  }
0x7e: {  	_ =	shalt  }
0x7f: {  	_ =	shalt  }
0x80: {  	_ =	shalt  }
0x81: {  	_ =	shalt  }
0x82: {  	_ =	shalt  }
0x83: {  	_ =	shalt  }
0x84: {  	_ =	shalt  }
0x85: {  	_ =	shalt  }
0x86: {  	_ =	shalt  }
0x87: {  	_ =	shalt  }
.Lfunc_end0:
.L_simem_size_0:
called_computation_lowered:
.L_overlay_start_0:
0x88: {  	s2 =	sld [smem:$0x3FD9]  }
0x89: {  	s3 =	sld [smem:$0x3FFE];
	_ =	sdelay $0x1  }
0x8a: {  	s1 =	srdreg.scid  }
0x8b: {  	s0 =	sand.u32 $0x1, s1  }
0x8c: {  	s17 =	sshll.u32 s0, $0xA;
	s2 =	sadd.s32 s3, s2  }
0x8d: {  	s2 =	sadd.s32 s2, s17  }
0x8e: {  	[smem:$0x3FBF] =	sst s2  }
0x8f: {  	_ = 	snop  }
0x90: {  	s2 =	sld [smem:$0x3FC8]  }
0x91: {  	s18 =	sld [smem:$0x3FC7];
	(tm) =	ssettm $0x1  }
0x92: {  	s4 =	sld [smem:$0x3FFB];
	_ =	sdelay $0x3  }
0x93: {  	_ =	strace s4  }
0x94: {  	s4 =	sld [smem:$0x3FFC];
	_ =	sdelay $0x3  }
0x95: {  	_ =	strace s4  }
0x96: {  	s4 =	sld [smem:$0x3FFD];
	_ =	sdelay $0x3  }
0x97: {  	_ =	strace s4  }
0x98: {  	_ =	strace $0x8FFFFFFF  }
0x99: {  	s19 =	sld [smem:$0x3FDB];
	_ =	sdelay $0x1  }
0x9a: {  	s5 =	simm.s32 $_scs_section_size  }
0x9b: {  	s6 =	simm.s32 $_size__tile_overlayer_lowered;
	s7 =	simm.s32 $_tile_overlayer_lowered  }
0x9c: {  	s22 =	simm.s32 $0x1BFF;
	s21 =	sshll.u32 s7, $0x1;
	s4 =	sadd.s32 s5, s19  }
0x9d: {  	s8 =	simm.s32 $0x0;
	s20 =	sshll.u32 s6, $0x1;
	s6 =	sadd.s32 s21, s4  }
0x9e: {  	[timem:s8], [sflag:s22] =	dma.local [hbm:s6], s20  }
0x9f: {  	_ =	swait.ge [sflag:s22], s20  }
0xa0: {  	s5 =	ssub.s32 $0x0, s20;
	[sflag:s22] =	ssyncset.done $0x0  }
0xa1: {  	[sflag:s22] =	ssyncadd.s32 s5;
	_ =	sdelay $0x1  }
0xa2: {  	s23 =	simm.s32 $0x1B8B  }
0xa3: {  	_ =	swait.ge [sflag:s23], $0x1  }
0xa4: {  	[sflag:s23] =	ssyncset.done $0x0  }
0xa5: {  	s25 =	simm.s32 $0x1B8E;
	s24 =	sld [smem:$0x3FFE];
	[sflag:s23] =	ssyncadd.s32 $0xFFFFFFFF  }
0xa6: {  	s26 =	simm.s32 $execute0_lowered;
	[smem:$0x3FD2] =	sst s25  }
0xa7: {  	s6 =	sshll.u32 s26, $0x1;
	_ =	strace $0x80000046;
	[dreg:$0x1] =	wrdreg $0xFFFFFFFF  }
0xa8: {  	s28 =	simm.s32 $_size_execute0_lowered;
	s4 =	sadd.s32 s4, s6;
	[dreg:$0x0] =	wrdreg $0x0  }
0xa9: {  	s6 =	sshll.u32 s28, $0x1;
	[dreg:$0x2] =	wrdreg s4  }
0xaa: {  	[dreg:$0x3] =	wrdreg s6  }
0xab: {  	[dreg:$0x4] =	wrdreg $0xC0  }
0xac: {  	_ =	task [dreg:s8], $0x5FFFF  }
0xad: {  	[dreg:$0x1] =	wrdreg $0xFFFFFFFF  }
0xae: {  	[dreg:$0x0] =	wrdreg $0x60  }
0xaf: {  	[dreg:$0x2] =	wrdreg s2  }
0xb0: {  	[dreg:$0x3] =	wrdreg s18  }
0xb1: {  	[dreg:$0x4] =	wrdreg s24  }
0xb2: {  	[dreg:$0x5] =	wrdreg $0x18000  }
0xb3: {  	[dreg:$0x6] =	wrdreg $0x9  }
0xb4: {  	_ =	task.clear_ibuf [dreg:s8], $0x7FFFF;
	_ =	strace $0x90000046  }
0xb5: {  	s29 =	simm.s32 $0x9;
	_ =	strace $0x80000048  }
0xb6: {  	_ =	swait.ge [sflag:s29], $0x1  }
0xb7: {  	[sflag:s29] =	ssyncadd.s32 $0xFFFFFFFF  }
0xb8: {  	_ =	strace $0x90000048  }
0xb9: {  	_ =	sfence  }
0xba: {  	s30 =	sld [smem:$0x0];
	_ =	sdelay $0x2  }
0xbb: {  	s31 =	sshll.u32 s1, $0xD;
	s1 =	sshrl.u32 s1, $0x2  }
0xbc: {  	s3 =	sand.u32 $0x4000, s31;
	s1 =	sadd.s32 s1, s30  }
0xbd: {  	s0 =	sor.u32 s3, s0;
	s1 =	sshll.u32 s1, $0x11  }
0xbe: {  	s0 =	sor.u32 s1, s0  }
0xbf: {  	s0 =	sadd.s32 $0x8F2B, s0  }
0xc0: {  	[sflag:s0] =	ssyncadd.remote.s32 $0x1  }
0xc1: {  	_ =	sfence.sel $0xFFFF  }
0xc2: {  	[dreg:$0x0] =	wrdreg $0xFFFFFFFF;
	(pc) =	sbr.abs _section_cstart, $3  }
0xc3: {  	[dreg:$0x1] =	wrdreg $0xFFFFFFFF  }
0xc4: {  	_ =	task.clear_ibuf [dreg:s8], $0x2FFFF;
	_ =	strace $0x9FFFFFFF  }
0xc5: {  	(tm) =	ssettm $0x7FFFFFFF  }
tec
execute0_lowered:
.L_overlay_start_1:
0x0: {  	(tag) =	ssettag $0x1  }
0x1: {  	s0 =	rddreg [dreg:$0x0]  }
0x2: {  	s4 =	rddreg [dreg:$0x1]  }
0x3: {  	s3 =	rddreg [dreg:$0x2]  }
0x4: {  	s1 =	rddreg [dreg:$0x3];
	s2 =	simm.s32 $0x0  }
0x5: {  	s5 =	srdreg.scid;
	s9 =	stileid.u32;
	s24 =	simm.s32 $0xC00  }
0x6: {  	s25 =	simm.s32 $0x400;
	s26 =	simm.s32 $0xC80;
	s28 =	simm.s32 $0x480  }
0x7: {  	s29 =	simm.s32 $0xD00;
	s30 =	simm.s32 $0x500;
	s31 =	simm.s32 $0xD80  }
0x8: {  	s11 =	simm.s32 $0x600;
	s12 =	simm.s32 $0xE80;
	s13 =	simm.s32 $0x680  }
0x9: {  	s14 =	simm.s32 $0xF00;
	s15 =	simm.s32 $0x700;
	s16 =	simm.s32 $0xF80  }
0xa: {  	s17 =	simm.s32 $0x780;
	s18 =	simm.s32 $0x0;
	[smem:$0x7FF] =	sst s2  }
0xb: {  	s5 =	sand.u32 $0x1, s5;
	s10 =	sshll.u32 s9, $0x8;
	p0 =	sne.s32 s9, $0x0  }
0xc: {  	s9 =	simm.s32 $0xE00;
	_ =	strace $0x80000047;
	s6 =	sshll.u32 s5, $0x4  }
.Ltmp0:
0xd: {  	s7 =	ssub.s32 $0x2, s5;
	s5 =	sshll.u32 s5, $0xC;
	(pc) =	sbr.rel .LBB2_1-.Ltmp0, $4  }
0xe: {  	s8 =	sshrl.u32 s7, $0x1;
	s6 =	sadd.s32 s6, s3;
	s5 =	sor.u32 s10, s5  }
0xf: {  	s10 =	simm.s32 $0x80;
	s7 =	ssub.s32 s7, s8;
	s3 =	sadd.s32 s0, s5  }
0x10: {  	s4 =	sadd.s32 s4, s5;
	s5 =	sadd.s32 $0x1400, s6;
	s8 =	simm.s32 $0x800  }
0x11: {  	v0 =	vimm.f32 $0.0e+00;
	s0 =	simm.s32 $0x580;
	s6 =	smax.u32 s7, $0x1;
	s7 =	simm.s32 $0x1  }
.LBB2_6:
0x12: {  	[tilespmem:s20+$0x1000] =	vst v0;
	s19 =	simm.s32 $0x1000  }
0x13: {  	[spmem:s1] =	stream.linear.scatter [tilespmem:s19], [sflag:$0x1], $0x800, $0x38;
	[tilespmem:$0x1880] =	vst v63  }
0x14: {  	_ =	swait.ge [sflag:s7], $0x800  }
0x15: {  	[sflag:s7] =	ssyncset.done $0x0  }
0x16: {  	[sflag:s7] =	ssyncadd.s32 $0xFFFFF800  }
.LBB2_7:
0x17: {  	[bflag:$0x0] =	sbarrier.arrive $0xFFFF  }
0x18: {  	[spmem:s1] =	stream.indirect.scatter.add.f32 [tilespmem:s2], [sflag:$0x1], $0x1, s8, s10, $0xb8;
	[tilespmem:$0x1880] =	vst v63  }
0x19: {  	_ =	swait.ge [sflag:s7], $0x80  }
0x1a: {  	[sflag:s7] =	ssyncset.done $0x0  }
0x1b: {  	s19 =	simm.s32 $0x880;
	[sflag:s7] =	ssyncadd.s32 $0xFFFFFF80  }
0x1c: {  	[spmem:s1] =	stream.indirect.scatter.add.f32 [tilespmem:s10], [sflag:$0x1], $0x1, s19, s10, $0xb8;
	[tilespmem:$0x1880] =	vst v63  }
0x1d: {  	_ =	swait.ge [sflag:s7], $0x80  }
0x1e: {  	[sflag:s7] =	ssyncset.done $0x0  }
0x1f: {  	s21 =	simm.s32 $0x900;
	s20 =	simm.s32 $0x100;
	[sflag:s7] =	ssyncadd.s32 $0xFFFFFF80  }
0x20: {  	[spmem:s1] =	stream.indirect.scatter.add.f32 [tilespmem:s20], [sflag:$0x1], $0x1, s21, s10, $0xb8;
	[tilespmem:$0x1880] =	vst v63  }
0x21: {  	_ =	swait.ge [sflag:s7], $0x80  }
0x22: {  	[sflag:s7] =	ssyncset.done $0x0  }
0x23: {  	s22 =	simm.s32 $0x980;
	s23 =	simm.s32 $0x180;
	[sflag:s7] =	ssyncadd.s32 $0xFFFFFF80  }
0x24: {  	[spmem:s1] =	stream.indirect.scatter.add.f32 [tilespmem:s23], [sflag:$0x1], $0x1, s22, s10, $0xb8;
	[tilespmem:$0x1880] =	vst v63  }
0x25: {  	_ =	swait.ge [sflag:s7], $0x80  }
0x26: {  	[sflag:s7] =	ssyncset.done $0x0  }
0x27: {  	s20 =	simm.s32 $0xA00;
	s21 =	simm.s32 $0x200;
	[sflag:s7] =	ssyncadd.s32 $0xFFFFFF80  }
0x28: {  	[spmem:s1] =	stream.indirect.scatter.add.f32 [tilespmem:s21], [sflag:$0x1], $0x1, s20, s10, $0xb8;
	[tilespmem:$0x1880] =	vst v63  }
0x29: {  	_ =	swait.ge [sflag:s7], $0x80  }
0x2a: {  	[sflag:s7] =	ssyncset.done $0x0  }
0x2b: {  	s22 =	simm.s32 $0xA80;
	s23 =	simm.s32 $0x280;
	[sflag:s7] =	ssyncadd.s32 $0xFFFFFF80  }
0x2c: {  	[spmem:s1] =	stream.indirect.scatter.add.f32 [tilespmem:s23], [sflag:$0x1], $0x1, s22, s10, $0xb8;
	[tilespmem:$0x1880] =	vst v63  }
0x2d: {  	_ =	swait.ge [sflag:s7], $0x80  }
0x2e: {  	[sflag:s7] =	ssyncset.done $0x0  }
0x2f: {  	s20 =	simm.s32 $0xB00;
	s21 =	simm.s32 $0x300;
	[sflag:s7] =	ssyncadd.s32 $0xFFFFFF80  }
0x30: {  	[spmem:s1] =	stream.indirect.scatter.add.f32 [tilespmem:s21], [sflag:$0x1], $0x1, s20, s10, $0xb8;
	[tilespmem:$0x1880] =	vst v63  }
0x31: {  	_ =	swait.ge [sflag:s7], $0x80  }
0x32: {  	[sflag:s7] =	ssyncset.done $0x0  }
0x33: {  	s22 =	simm.s32 $0xB80;
	s23 =	simm.s32 $0x380;
	[sflag:s7] =	ssyncadd.s32 $0xFFFFFF80  }
0x34: {  	[spmem:s1] =	stream.indirect.scatter.add.f32 [tilespmem:s23], [sflag:$0x1], $0x1, s22, s10, $0xb8;
	[tilespmem:$0x1880] =	vst v63  }
0x35: {  	_ =	swait.ge [sflag:s7], $0x80  }
0x36: {  	[sflag:s7] =	ssyncset.done $0x0  }
0x37: {  	[sflag:s7] =	ssyncadd.s32 $0xFFFFFF80  }
0x38: {  	[spmem:s1] =	stream.indirect.scatter.add.f32 [tilespmem:s25], [sflag:$0x1], $0x1, s24, s10, $0xb8;
	[tilespmem:$0x1880] =	vst v63  }
0x39: {  	_ =	swait.ge [sflag:s7], $0x80  }
0x3a: {  	[sflag:s7] =	ssyncset.done $0x0  }
0x3b: {  	[sflag:s7] =	ssyncadd.s32 $0xFFFFFF80  }
0x3c: {  	[spmem:s1] =	stream.indirect.scatter.add.f32 [tilespmem:s28], [sflag:$0x1], $0x1, s26, s10, $0xb8;
	[tilespmem:$0x1880] =	vst v63  }
0x3d: {  	_ =	swait.ge [sflag:s7], $0x80  }
0x3e: {  	[sflag:s7] =	ssyncset.done $0x0  }
0x3f: {  	[sflag:s7] =	ssyncadd.s32 $0xFFFFFF80  }
0x40: {  	[spmem:s1] =	stream.indirect.scatter.add.f32 [tilespmem:s30], [sflag:$0x1], $0x1, s29, s10, $0xb8;
	[tilespmem:$0x1880] =	vst v63  }
0x41: {  	_ =	swait.ge [sflag:s7], $0x80  }
0x42: {  	[sflag:s7] =	ssyncset.done $0x0  }
0x43: {  	[sflag:s7] =	ssyncadd.s32 $0xFFFFFF80  }
0x44: {  	[spmem:s1] =	stream.indirect.scatter.add.f32 [tilespmem:s0], [sflag:$0x1], $0x1, s31, s10, $0xb8;
	[tilespmem:$0x1880] =	vst v63  }
0x45: {  	_ =	swait.ge [sflag:s7], $0x80  }
0x46: {  	[sflag:s7] =	ssyncset.done $0x0  }
0x47: {  	[sflag:s7] =	ssyncadd.s32 $0xFFFFFF80  }
0x48: {  	[spmem:s1] =	stream.indirect.scatter.add.f32 [tilespmem:s11], [sflag:$0x1], $0x1, s9, s10, $0xb8;
	[tilespmem:$0x1880] =	vst v63  }
0x49: {  	_ =	swait.ge [sflag:s7], $0x80  }
0x4a: {  	[sflag:s7] =	ssyncset.done $0x0  }
0x4b: {  	[sflag:s7] =	ssyncadd.s32 $0xFFFFFF80  }
0x4c: {  	[spmem:s1] =	stream.indirect.scatter.add.f32 [tilespmem:s13], [sflag:$0x1], $0x1, s12, s10, $0xb8;
	[tilespmem:$0x1880] =	vst v63  }
0x4d: {  	_ =	swait.ge [sflag:s7], $0x80  }
0x4e: {  	[sflag:s7] =	ssyncset.done $0x0  }
0x4f: {  	[sflag:s7] =	ssyncadd.s32 $0xFFFFFF80  }
0x50: {  	[spmem:s1] =	stream.indirect.scatter.add.f32 [tilespmem:s15], [sflag:$0x1], $0x1, s14, s10, $0xb8;
	[tilespmem:$0x1880] =	vst v63  }
0x51: {  	_ =	swait.ge [sflag:s7], $0x80  }
0x52: {  	[sflag:s7] =	ssyncset.done $0x0  }
0x53: {  	s18 =	sadd.s32 $0x1, s18;
	[sflag:s7] =	ssyncadd.s32 $0xFFFFFF80  }
0x54: {  	[spmem:s1] =	stream.indirect.scatter.add.f32 [tilespmem:s17], [sflag:$0x1], $0x1, s16, s10, $0xb8;
	[tilespmem:$0x1880] =	vst v63  }
0x55: {  	p1 =	sne.s32 s18, s6;
	_ =	swait.ge [sflag:s7], $0x80  }
0x56: {  	s19 =	sshrl.u32 @!p0 s1, $0x3;
	s20 =	simm.s32 @!p0 $0x1;
	[sflag:s7] =	ssyncset.done $0x0  }
0x57: {  	s21 =	simm.s32 @!p0 $0x20;
	s22 =	simm.s32 @!p0 $0x10;
	[sflag:s7] =	ssyncadd.s32 $0xFFFFFF80  }
.Ltmp1:
0x58: {  	s23 =	simm.s32 @!p0 $0x1C01;
	[bflag:$0x0] =	sbarrier.arrive $0xFFFF;
	(pc) =	sbr.rel @!p1 .LBB2_8-.Ltmp1, $4  }
0x59: {  	[hbm:s5@s21], [sflag:s23] =	dma.strided @!p0 [spmem:s19@s22], $0x100, s20, $0x10   }
0x5a: {  	_ =	swait.ge @!p0 [sflag:s20], $0x100  }
0x5b: {  	[sflag:s20] =	ssyncset.done @!p0 $0x0  }
0x5c: {  	[sflag:s20] =	ssyncadd.s32 @!p0 $0xFFFFFF00  }
.LBB2_1:
0x5d: {  	[tilespmem:s2], [sflag:$0x1] =	stream.linear.gather [hbm4b:s3+s2], $0x800, $0x38;
	[tilespmem:$0x1880] =	vst v63  }
0x5e: {  	_ =	swait.ge [sflag:s7], $0x800  }
0x5f: {  	[sflag:s7] =	ssyncset.done $0x0  }
0x60: {  	[sflag:s7] =	ssyncadd.s32 $0xFFFFF800  }
0x61: {  	[tilespmem:s8], [sflag:$0x1] =	stream.linear.gather [hbm4b:s4+s2], $0x800, $0x38;
	[tilespmem:$0x1880] =	vst v63  }
0x62: {  	_ =	swait.ge [sflag:s7], $0x800  }
0x63: {  	[sflag:s7] =	ssyncset.done $0x0  }
0x64: {  	s19 =	simm.s32 $0x0;
	[sflag:s7] =	ssyncadd.s32 $0xFFFFF800  }
0x65: {  	v5 =	vld [tilespmem:s19+$0x0]  }
0x66: {  	v7 =	vld [tilespmem:s19+$0x10]  }
0x67: {  	v4 =	vld [tilespmem:s19+$0x20]  }
0x68: {  	v1 =	vld [tilespmem:s19+$0x30]  }
0x69: {  	v2 =	vld [tilespmem:s19+$0x40]  }
0x6a: {  	v3 =	vld [tilespmem:s19+$0x50];
	v6 =	vmul.f32 $1.442695020e+00, v5  }
0x6b: {  	s20 =	simm.s32 $0x200;
	v7 =	vmul.f32 $1.442695020e+00, v7;
	v5 =	vld [tilespmem:s19+$0x60]  }
.LBB2_2:
0x6c: {  	p1 =	sne.s32 s20, $0x1E00;
	v4 =	vmul.f32 $1.442695020e+00, v4;
	v8 =	vld [tilespmem:s19+$0x70];
	(erf) = vpow2.f32 v6  }
0x6d: {  	v1 =	vmul.f32 $1.442695020e+00, v1;
	(erf) = vpow2.f32 v7  }
0x6e: {  	v2 =	vmul.f32 $1.442695020e+00, v2;
	(erf) = vpow2.f32 v4  }
0x6f: {  	v3 =	vmul.f32 $1.442695020e+00, v3;
	(erf) = vpow2.f32 v1  }
0x70: {  	v1 =	vmul.f32 $1.442695020e+00, v5;
	(erf) = vpow2.f32 v2  }
0x71: {  	v2 =	vmul.f32 $1.442695020e+00, v8;
	(erf) = vpow2.f32 v3  }
0x72: {  	(erf) = vpow2.f32 v1  }
0x73: {  	(erf) = vpow2.f32 v2;
	_ =	sdelay $0x1  }
0x74: {  	v1 =	vpop (erf)  }
0x75: {  	s21 =	sshra.s32 s20, $0x2;
	[tilespmem:s19+$0x0] =	vst v1;
	v1 =	vpop (erf)  }
0x76: {  	v3 =	vld [tilespmem:s21+$0x0];
	[tilespmem:s19+$0x10] =	vst v1;
	v1 =	vpop (erf)  }
0x77: {  	v5 =	vld [tilespmem:s21+$0x10];
	[tilespmem:s19+$0x20] =	vst v1;
	v1 =	vpop (erf)  }
.Ltmp2:
0x78: {  	v4 =	vld [tilespmem:s21+$0x20];
	[tilespmem:s19+$0x30] =	vst v1;
	v2 =	vpop (erf);
	(pc) =	sbr.rel @p1 .LBB2_2-.Ltmp2, $4  }
0x79: {  	v1 =	vld [tilespmem:s21+$0x30];
	[tilespmem:s19+$0x40] =	vst v2;
	v6 =	vpop (erf)  }
0x7a: {  	v2 =	vld [tilespmem:s21+$0x40];
	[tilespmem:s19+$0x50] =	vst v6;
	v7 =	vpop (erf)  }
0x7b: {  	v6 =	vmul.f32 $1.442695020e+00, v3;
	v3 =	vld [tilespmem:s21+$0x50];
	[tilespmem:s19+$0x60] =	vst v7;
	v8 =	vpop (erf)  }
0x7c: {  	s20 =	sadd.s32 $0x200, s20;
	v7 =	vmul.f32 $1.442695020e+00, v5;
	v5 =	vld [tilespmem:s21+$0x60];
	[tilespmem:s19+$0x70] =	vst v8;
	s19 =	smov.u32 s21  }
0x7d: {  	v4 =	vmul.f32 $1.442695020e+00, v4;
	v8 =	vld [tilespmem:s19+$0x70];
	(erf) = vpow2.f32 v6  }
0x7e: {  	v1 =	vmul.f32 $1.442695020e+00, v1;
	(erf) = vpow2.f32 v7  }
0x7f: {  	v2 =	vmul.f32 $1.442695020e+00, v2;
	(erf) = vpow2.f32 v4  }
0x80: {  	v3 =	vmul.f32 $1.442695020e+00, v3;
	(erf) = vpow2.f32 v1  }
0x81: {  	v1 =	vmul.f32 $1.442695020e+00, v5;
	(erf) = vpow2.f32 v2  }
0x82: {  	v2 =	vmul.f32 $1.442695020e+00, v8;
	(erf) = vpow2.f32 v3  }
0x83: {  	(erf) = vpow2.f32 v1  }
0x84: {  	(erf) = vpow2.f32 v2;
	_ =	sdelay $0x1  }
0x85: {  	v1 =	vpop (erf)  }
0x86: {  	[tilespmem:s19+$0x0] =	vst v1;
	v1 =	vpop (erf)  }
0x87: {  	[tilespmem:s19+$0x10] =	vst v1;
	v1 =	vpop (erf)  }
0x88: {  	[tilespmem:s19+$0x20] =	vst v1;
	v1 =	vpop (erf)  }
.Ltmp3:
0x89: {  	[tilespmem:s19+$0x30] =	vst v1;
	v1 =	vpop (erf);
	(pc) =	sbr.rel @p0 .LBB2_7-.Ltmp3, $4  }
0x8a: {  	[tilespmem:s19+$0x40] =	vst v1;
	v1 =	vpop (erf)  }
0x8b: {  	[tilespmem:s19+$0x50] =	vst v1;
	v1 =	vpop (erf)  }
0x8c: {  	[tilespmem:s19+$0x60] =	vst v1;
	v1 =	vpop (erf)  }
0x8d: {  	[tilespmem:s19+$0x70] =	vst v1  }
0x8e: {  	s19 =	simm.s32 $0x40;
	s20 =	simm.s32 $0x0  }
.LBB2_5:
0x8f: {  	p1 =	sne.s32 s19, $0x1FC0;
	[tilespmem:s20+$0x1000] =	vst v0;
	s20 =	smov.u32 s19;
	s19 =	sadd.s32 $0x40, s19  }
.Ltmp4:
0x90: {  	(pc) =	sbr.rel @p1 .LBB2_5-.Ltmp4, $2  }
0x91: {  	_ =	sdelay $0x2  }
0x92: {  	s20 =	sshra.s32 s20, $0x2  }
.Ltmp5:
0x93: {  	_ = 	snop;
	(pc) =	sbr.rel .LBB2_6-.Ltmp5, $1  }
0x94: {  	_ =	sdelay $0x3  }
.LBB2_8:
0x95: {  	_ =	sfence.sel $0x180000  }
0x96: {  	[bflag:$0x0] =	sbarrier.arrive $0xFFFF  }
0x97: {  	_ =	strace $0x90000047  }
0x98: {  	[bflag:$0x2] =	sbarrier.arrive $0xFFFF  }
0x99: {  	s0 =	rddreg [dreg:$0x4]  }
0x9a: {  	s0 =	sadd.s32 @!p0 $0x100000, s0  }
0x9b: {  	[sflag:s0] =	ssyncadd.tile.s32 @!p0 $0x1;
	_ =	shalt  }
.Lfunc_end2:
_tile_overlayer_lowered:
.L_overlay_start_2:
0x9c: {  	(tag) =	ssettag $0x2  }
0x9d: {  	s0 =	rddreg [dreg:$0x0];
	s2 =	stileid.u32  }
0x9e: {  	s1 =	rddreg [dreg:$0x1];
	p0 =	sne.s32 s2, $0x0  }
0x9f: {  	s3 =	rddreg [dreg:$0x2];
	[bflag:$0x3] =	sbarrier.arrive $0xFFFF;
	s2 =	simm.s32 @!p0 $0x1C01  }
0xa0: {  	[timem:s3], [sflag:s2] =	dma.local @!p0 [hbm:s0], s1  }
0xa1: {  	s0 =	simm.s32 @!p0 $0x1  }
0xa2: {  	_ =	swait.ge @!p0 [sflag:s0], s1  }
0xa3: {  	s1 =	ssub.s32 @!p0 $0x0, s1;
	[sflag:s0] =	ssyncset.done @!p0 $0x0  }
0xa4: {  	[sflag:s0] =	ssyncadd.s32 @!p0 s1  }
0xa5: {  	[bflag:$0x3] =	sbarrier.arrive $0xFFFF  }
0xa6: {  	_ =	shalt  }

// kernel: kernel.8.cloned.1.call-start
scs
__scs_entry_jumppad:
0x0: {  	(pc) =	sbr.rel $0x88, $3  }
0x1: {  	(tag) =	ssettag $0x0;
	lr =	simm.s32 $0x1  }
0x2: {  	[smem:$0x3F98] =	sst lr;
	_ =	strace $0xD0000000  }
0x3: {  	_ = 	snop  }
0x4: {  	_ = 	snop  }
0x5: {  	_ = 	snop  }
0x6: {  	_ = 	snop  }
0x7: {  	_ = 	snop  }
__scs_overlays_trampoline_lowered:
0x8: {  	[smem:$0x3FA7] =	sst s0  }
0x9: {  	[smem:$0x3FA8] =	sst s1  }
0xa: {  	[smem:$0x3FA9] =	sst s2  }
0xb: {  	[smem:$0x3FAA] =	sst s3  }
0xc: {  	[smem:$0x3FAB] =	sst s4  }
0xd: {  	[smem:$0x3FAC] =	sst s5  }
0xe: {  	[smem:$0x3FAD] =	sst s6  }
0xf: {  	[smem:$0x3FAE] =	sst s7  }
0x10: {  	[smem:$0x3FAF] =	sst s8  }
0x11: {  	[smem:$0x3FB0] =	sst s9;
	s0 =	simm.s32 @!p0 $0x0  }
0x12: {  	s1 =	sld [smem:$0x3F96];
	s0 =	simm.s32 @p0 $0x1  }
0x13: {  	[smem:$0x3FB1] =	sst s0;
	s0 =	simm.s32 @!p1 $0x0  }
0x14: {  	s2 =	sld [smem:$0x3F95];
	s0 =	simm.s32 @p1 $0x1  }
0x15: {  	[smem:$0x3FB2] =	sst s0;
	s0 =	simm.s32 @!p2 $0x0  }
0x16: {  	s3 =	sld [smem:$0x3FDB];
	s0 =	simm.s32 @p2 $0x1  }
0x17: {  	s4 =	simm.s32 $0x1BF5;
	[smem:$0x3FB4] =	sst s0  }
0x18: {  	s0 =	sld [smem:$0x3F97];
	_ =	swait.ge [sflag:s4], $0x0  }
0x19: {  	s7 =	sld [smem:$0x3F98]  }
0x1a: {  	s8 =	sadd.s32 $0xFFFFE003, lr  }
0x1b: {  	s9 =	sadd.s32 $0xFFFFFEF7, lr;
	s5 =	simm.s32 $0xFFFFFFFF;
	p2 =	slt.u32 s8, $0xFFFFF086  }
0x1c: {  	p1 =	slt.u32 s9, $0xF7A;
	s5 =	simm.s32 @!p2 $0x0  }
0x1d: {  	s5 =	simm.s32 @p1 $0x1;
	p0 =	seq.s32 s7, s2  }
0x1e: {  	s7 =	smul.u32 @!p0 $0xF7A, s2;
	p2 =	seq.s32 @!p0 s5, $0x0  }
0x1f: {  	s9 =	smul.u32 $0xF7A, s1;
	s8 =	simm.s32 @!p0 $0x1BF5;
	p2 =	por !p2, p0  }
0x20: {  	[sflag:s8] =	ssyncset.s32 @!p0 $0xFFFFF086;
	s6 =	sadd.s32 @!p0 s3, s7;
	s7 =	simm.s32 @!p0 $0x108  }
0x21: {  	s3 =	sadd.s32 s3, s9;
	s6 =	sadd.s32 @!p0 $0x88, s6;
	s7 =	simm.s32 @p2 $0x1082  }
0x22: {  	[simem:s7], [sflag:s8] =	dma.local @!p0 [hbm:s6], $0xF7A  }
0x23: {  	s9 =	sor.u32 $0xD0000000, s2;
	s6 =	simm.s32 $0x108;
	_ =	swait.ge @!p0 [sflag:s8], $0x0  }
0x24: {  	s3 =	sadd.s32 $0x88, s3;
	s6 =	simm.s32 @!p1 $0x1082;
	[sflag:s4] =	ssyncset.s32 $0xFFFFF086  }
0x25: {  	[simem:s6], [sflag:s4] =	dma.local [hbm:s3], $0xF7A  }
0x26: {  	[smem:$0x3F98] =	sst s1;
	(tag) =	ssettag s2;
	_ =	strace s9  }
0x27: {  	s1 =	sld [smem:$0x3FA8]  }
0x28: {  	s2 =	sld [smem:$0x3FA9]  }
0x29: {  	s4 =	sld [smem:$0x3FAB]  }
0x2a: {  	p0 =	seq.s32 s5, $0x0;
	s5 =	sld [smem:$0x3FAC]  }
0x2b: {  	s6 =	sld [smem:$0x3FAD]  }
0x2c: {  	s7 =	sld [smem:$0x3FAE]  }
0x2d: {  	s3 =	simm.s32 $0x108;
	s8 =	sld [smem:$0x3FAF]  }
0x2e: {  	s3 =	simm.s32 @!p0 $0x1082;
	s9 =	sld [smem:$0x3FB0]  }
0x2f: {  	lr =	sadd.s32 s0, s3;
	s0 =	sld [smem:$0x3FA7]  }
0x30: {  	s3 =	sld [smem:$0x3FAA]  }
0x31: {  	[smem:$0x3FB3] =	sst s10  }
0x32: {  	s10 =	sld [smem:$0x3FB1];
	_ =	sdelay $0x3  }
0x33: {  	p0 =	seq.s32 s10, $0x1;
	s10 =	sld [smem:$0x3FB3];
	_ =	sdelay $0x3  }
0x34: {  	[smem:$0x3FB3] =	sst s10  }
0x35: {  	s10 =	sld [smem:$0x3FB2];
	_ =	sdelay $0x3  }
0x36: {  	p1 =	seq.s32 s10, $0x1;
	s10 =	sld [smem:$0x3FB3];
	_ =	sdelay $0x3  }
0x37: {  	[smem:$0x3FB3] =	sst s10  }
0x38: {  	s10 =	sld [smem:$0x3FB4]  }
0x39: {  	_ = 	snop;
	(pc) =	sbr.ind lr, $3  }
0x3a: {  	_ = 	snop  }
0x3b: {  	_ = 	snop  }
0x3c: {  	p2 =	seq.s32 s10, $0x1;
	s10 =	sld [smem:$0x3FB3]  }
0x3d: {  	_ =	shalt  }
0x3e: {  	_ =	shalt  }
0x3f: {  	_ =	shalt  }
0x40: {  	_ =	shalt  }
0x41: {  	_ =	shalt  }
0x42: {  	_ =	shalt  }
0x43: {  	_ =	shalt  }
0x44: {  	_ =	shalt  }
0x45: {  	_ =	shalt  }
0x46: {  	_ =	shalt  }
0x47: {  	_ =	shalt  }
0x48: {  	_ =	shalt  }
0x49: {  	_ =	shalt  }
0x4a: {  	_ =	shalt  }
0x4b: {  	_ =	shalt  }
0x4c: {  	_ =	shalt  }
0x4d: {  	_ =	shalt  }
0x4e: {  	_ =	shalt  }
0x4f: {  	_ =	shalt  }
0x50: {  	_ =	shalt  }
0x51: {  	_ =	shalt  }
0x52: {  	_ =	shalt  }
0x53: {  	_ =	shalt  }
0x54: {  	_ =	shalt  }
0x55: {  	_ =	shalt  }
0x56: {  	_ =	shalt  }
0x57: {  	_ =	shalt  }
0x58: {  	_ =	shalt  }
0x59: {  	_ =	shalt  }
0x5a: {  	_ =	shalt  }
0x5b: {  	_ =	shalt  }
0x5c: {  	_ =	shalt  }
0x5d: {  	_ =	shalt  }
0x5e: {  	_ =	shalt  }
0x5f: {  	_ =	shalt  }
0x60: {  	_ =	shalt  }
0x61: {  	_ =	shalt  }
0x62: {  	_ =	shalt  }
0x63: {  	_ =	shalt  }
0x64: {  	_ =	shalt  }
0x65: {  	_ =	shalt  }
0x66: {  	_ =	shalt  }
0x67: {  	_ =	shalt  }
0x68: {  	_ =	shalt  }
0x69: {  	_ =	shalt  }
0x6a: {  	_ =	shalt  }
0x6b: {  	_ =	shalt  }
0x6c: {  	_ =	shalt  }
0x6d: {  	_ =	shalt  }
0x6e: {  	_ =	shalt  }
0x6f: {  	_ =	shalt  }
0x70: {  	_ =	shalt  }
0x71: {  	_ =	shalt  }
0x72: {  	_ =	shalt  }
0x73: {  	_ =	shalt  }
0x74: {  	_ =	shalt  }
0x75: {  	_ =	shalt  }
0x76: {  	_ =	shalt  }
0x77: {  	_ =	shalt  }
0x78: {  	_ =	shalt  }
0x79: {  	_ =	shalt  }
0x7a: {  	_ =	shalt  }
0x7b: {  	_ =	shalt  }
0x7c: {  	_ =	shalt  }
0x7d: {  	_ =	shalt  }
0x7e: {  	_ =	shalt  }
0x7f: {  	_ =	shalt  }
0x80: {  	_ =	shalt  }
0x81: {  	_ =	shalt  }
0x82: {  	_ =	shalt  }
0x83: {  	_ =	shalt  }
0x84: {  	_ =	shalt  }
0x85: {  	_ =	shalt  }
0x86: {  	_ =	shalt  }
0x87: {  	_ =	shalt  }
.Lfunc_end0:
.L_simem_size_0:
called_computation.1_lowered:
.L_overlay_start_0:
0x88: {  	s2 =	sld [smem:$0x3FD9]  }
0x89: {  	s3 =	sld [smem:$0x3FFE];
	_ =	sdelay $0x1  }
0x8a: {  	s1 =	srdreg.scid  }
0x8b: {  	s0 =	sand.u32 $0x1, s1  }
0x8c: {  	s17 =	sshll.u32 s0, $0xA;
	s2 =	sadd.s32 s3, s2  }
0x8d: {  	s2 =	sadd.s32 s2, s17  }
0x8e: {  	[smem:$0x3FBF] =	sst s2  }
0x8f: {  	_ = 	snop  }
0x90: {  	s2 =	sld [smem:$0x3FC7];
	(tm) =	ssettm $0x1  }
0x91: {  	s18 =	sld [smem:$0x3FFB];
	_ =	sdelay $0x3  }
0x92: {  	_ =	strace s18  }
0x93: {  	s3 =	sld [smem:$0x3FFC];
	_ =	sdelay $0x3  }
0x94: {  	_ =	strace s3  }
0x95: {  	s3 =	sld [smem:$0x3FFD];
	_ =	sdelay $0x3  }
0x96: {  	_ =	strace s3  }
0x97: {  	_ =	strace $0x8FFFFFFF  }
0x98: {  	s19 =	sld [smem:$0x3FDB];
	_ =	sdelay $0x1  }
0x99: {  	s4 =	simm.s32 $_scs_section_size  }
0x9a: {  	s5 =	simm.s32 $_size__tile_overlayer_lowered;
	s6 =	simm.s32 $_tile_overlayer_lowered  }
0x9b: {  	s22 =	simm.s32 $0x1BFF;
	s21 =	sshll.u32 s6, $0x1;
	s3 =	sadd.s32 s4, s19  }
0x9c: {  	s7 =	simm.s32 $0x0;
	s20 =	sshll.u32 s5, $0x1;
	s5 =	sadd.s32 s21, s3  }
0x9d: {  	[timem:s7], [sflag:s22] =	dma.local [hbm:s5], s20  }
0x9e: {  	_ =	swait.ge [sflag:s22], s20  }
0x9f: {  	s4 =	ssub.s32 $0x0, s20;
	[sflag:s22] =	ssyncset.done $0x0  }
0xa0: {  	[sflag:s22] =	ssyncadd.s32 s4;
	_ =	sdelay $0x1  }
0xa1: {  	s23 =	simm.s32 $0x1B8B  }
0xa2: {  	_ =	swait.ge [sflag:s23], $0x1  }
0xa3: {  	[sflag:s23] =	ssyncset.done $0x0  }
0xa4: {  	s25 =	simm.s32 $0x1B8E;
	s24 =	sld [smem:$0x3FFE];
	[sflag:s23] =	ssyncadd.s32 $0xFFFFFFFF  }
0xa5: {  	s26 =	simm.s32 $execute0_lowered;
	[smem:$0x3FD2] =	sst s25  }
0xa6: {  	s5 =	sshll.u32 s26, $0x1;
	_ =	strace $0x80000049;
	[dreg:$0x1] =	wrdreg $0xFFFFFFFF  }
0xa7: {  	s28 =	simm.s32 $_size_execute0_lowered;
	s3 =	sadd.s32 s3, s5;
	[dreg:$0x0] =	wrdreg $0x0  }
0xa8: {  	s5 =	sshll.u32 s28, $0x1;
	[dreg:$0x2] =	wrdreg s3  }
0xa9: {  	[dreg:$0x3] =	wrdreg s5  }
0xaa: {  	[dreg:$0x4] =	wrdreg $0xC0  }
0xab: {  	_ =	task [dreg:s7], $0x5FFFF  }
0xac: {  	[dreg:$0x1] =	wrdreg $0xFFFFFFFF  }
0xad: {  	[dreg:$0x0] =	wrdreg $0x60  }
0xae: {  	[dreg:$0x2] =	wrdreg s24  }
0xaf: {  	[dreg:$0x3] =	wrdreg s2  }
0xb0: {  	[dreg:$0x4] =	wrdreg $0x51000  }
0xb1: {  	[dreg:$0x5] =	wrdreg $0x9  }
0xb2: {  	_ =	task.clear_ibuf [dreg:s7], $0x6FFFF;
	_ =	strace $0x90000049  }
0xb3: {  	s29 =	simm.s32 $0x9;
	_ =	strace $0x8000004B  }
0xb4: {  	_ =	swait.ge [sflag:s29], $0x1  }
0xb5: {  	[sflag:s29] =	ssyncadd.s32 $0xFFFFFFFF  }
0xb6: {  	_ =	strace $0x9000004B  }
0xb7: {  	_ =	sfence  }
0xb8: {  	s30 =	sld [smem:$0x0];
	_ =	sdelay $0x2  }
0xb9: {  	s31 =	sshll.u32 s1, $0xD;
	s1 =	sshrl.u32 s1, $0x2  }
0xba: {  	s3 =	sand.u32 $0x4000, s31;
	s1 =	sadd.s32 s1, s30  }
0xbb: {  	s0 =	sor.u32 s3, s0;
	s1 =	sshll.u32 s1, $0x11  }
0xbc: {  	s0 =	sor.u32 s1, s0  }
0xbd: {  	s0 =	sadd.s32 $0x8F2B, s0  }
0xbe: {  	[sflag:s0] =	ssyncadd.remote.s32 $0x1  }
0xbf: {  	_ =	sfence.sel $0xFFFF  }
0xc0: {  	[dreg:$0x0] =	wrdreg $0xFFFFFFFF;
	(pc) =	sbr.abs _section_cstart, $3  }
0xc1: {  	[dreg:$0x1] =	wrdreg $0xFFFFFFFF  }
0xc2: {  	_ =	task.clear_ibuf [dreg:s7], $0x2FFFF;
	_ =	strace $0x9FFFFFFF  }
0xc3: {  	(tm) =	ssettm $0x7FFFFFFF  }
tec
execute0_lowered:
.L_overlay_start_1:
0x0: {  	(tag) =	ssettag $0x1  }
0x1: {  	s4 =	rddreg [dreg:$0x0]  }
0x2: {  	s6 =	rddreg [dreg:$0x1]  }
0x3: {  	s1 =	rddreg [dreg:$0x2];
	s2 =	srdreg.scid  }
0x4: {  	s0 =	rddreg [dreg:$0x3];
	s12 =	stileid.u32  }
0x5: {  	s14 =	simm.s32 $0x2000;
	s15 =	simm.s32 $0x4080;
	s16 =	simm.s32 $0x3000  }
0x6: {  	s17 =	simm.s32 $0x80;
	s18 =	simm.s32 $0x3880;
	s19 =	simm.s32 $0x5080  }
0x7: {  	s20 =	simm.s32 $0x3800;
	s21 =	simm.s32 $0x0;
	s5 =	sand.u32 $0x1, s2  }
0x8: {  	s2 =	simm.s32 $0x0;
	s8 =	sshll.u32 s12, $0x4;
	s9 =	sshll.u32 s12, $0x9  }
0x9: {  	p2 =	slt.u32 s12, $0x8;
	s3 =	sshll.u32 s5, $0x4;
	[smem:$0x7FF] =	sst s2  }
0xa: {  	s8 =	sand.u32 $0x70, s8;
	s10 =	sadd.s32 s9, s4;
	s11 =	ssub.s32 $0x2, s5  }
0xb: {  	p1 =	seq.s32 s5, $0x1;
	s6 =	sadd.s32 s6, s9;
	s7 =	sor.u32 s12, s3  }
0xc: {  	_ =	strace $0x8000004A;
	s31 =	sshrl.u32 s11, $0x1;
	s5 =	sadd.s32 $0x3600, s10  }
0xd: {  	p0 =	por !p1, !p1;
	s3 =	sshll.u32 s7, $0x4;
	s11 =	ssub.s32 s11, s31  }
.Ltmp0:
0xe: {  	p0 =	por @!p2 p1, p1;
	s7 =	sshll.u32 s7, $0x6;
	(pc) =	sbr.rel .LBB2_1-.Ltmp0, $4  }
0xf: {  	p1 =	sne.s32 s12, $0x0;
	s12 =	simm.s32 $0x1;
	s3 =	sand.u32 $0x180, s3  }
0x10: {  	s11 =	smax.u32 s11, $0x1;
	s8 =	sor.u32 s8, s3;
	s3 =	sadd.s32 $0x1400, s4  }
0x11: {  	s13 =	sadd.s32 s8, s4;
	s4 =	sadd.s32 $0x1600, s10;
	s8 =	sadd.s32 s7, s1  }
0x12: {  	v0 =	vimm.f32 $0.0e+00;
	s9 =	sadd.s32 $0x5800, s13;
	s10 =	sadd.s32 $0x5600, s13;
	s13 =	simm.s32 $0x1000  }
.LBB2_11:
0x13: {  	[bflag:$0x0] =	sbarrier.arrive $0xFFFF  }
0x14: {  	[tilespmem:s19], [sflag:$0x1] =	stream.linear.gather [spmem:s8], $0x40, $0x38;
	[tilespmem:$0x5180] =	vst v63  }
0x15: {  	_ =	swait.ge [sflag:s12], $0x40  }
0x16: {  	[sflag:s12] =	ssyncset.done $0x0  }
0x17: {  	[sflag:s12] =	ssyncadd.s32 $0xFFFFFFC0  }
0x18: {  	v1 =	vld [tilespmem:$0x5080];
	_ =	sdelay $0x4  }
0x19: {  	v1 =	vadd.f32 $9.999999710e-10, v1;
	_ =	sdelay $0x1  }
0x1a: {  	v2 =	vcvt.s32.f32 v1;
	_ =	sdelay $0x1  }
0x1b: {  	v2 =	vadd.f32 $-1.064866820e+09, v2;
	_ =	sdelay $0x1  }
0x1c: {  	v2 =	vmul.f32 $8.262958320e-08, v2;
	_ =	sdelay $0x1  }
0x1d: {  	v3 =	vsub.f32 $0.0e+00, v2;
	_ =	sdelay $0x1  }
0x1e: {  	v3 =	vmul.f32 $1.442695020e+00, v3;
	_ =	sdelay $0x1  }
0x1f: {  	(erf) = vpow2.f32 v3;
	_ =	sdelay $0x8  }
0x20: {  	v3 =	vpop (erf)  }
0x21: {  	v3 =	vmul.f32 v3, v1;
	_ =	sdelay $0x1  }
0x22: {  	v2 =	vadd.f32 v3, v2;
	_ =	sdelay $0x1  }
0x23: {  	v2 =	vadd.f32 $-1.000000000e+00, v2;
	_ =	sdelay $0x1  }
0x24: {  	v3 =	vsub.f32 $0.0e+00, v2;
	_ =	sdelay $0x1  }
0x25: {  	v3 =	vmul.f32 $1.442695020e+00, v3;
	_ =	sdelay $0x1  }
0x26: {  	(erf) = vpow2.f32 v3;
	_ =	sdelay $0x3  }
0x27: {  	v3 =	vld [tilespmem:$0x5090];
	_ =	sdelay $0x4  }
0x28: {  	v3 =	vadd.f32 $9.999999710e-10, v3;
	v4 =	vpop (erf)  }
0x29: {  	v4 =	vmul.f32 v4, v1  }
0x2a: {  	v5 =	vcvt.s32.f32 v3  }
0x2b: {  	v2 =	vadd.f32 v4, v2  }
0x2c: {  	v45 =	vadd.f32 $-1.064866820e+09, v5  }
0x2d: {  	v2 =	vadd.f32 $-1.000000000e+00, v2  }
0x2e: {  	v4 =	vmul.f32 $8.262958320e-08, v45  }
0x2f: {  	v46 =	vsub.f32 $0.0e+00, v2  }
0x30: {  	v6 =	vsub.f32 $0.0e+00, v4  }
0x31: {  	v5 =	vmul.f32 $1.442695020e+00, v46  }
0x32: {  	v6 =	vmul.f32 $1.442695020e+00, v6  }
0x33: {  	(erf) = vpow2.f32 v5  }
0x34: {  	(erf) = vpow2.f32 v6;
	_ =	sdelay $0x7  }
0x35: {  	v5 =	vpop (erf)  }
0x36: {  	v6 =	vpop (erf)  }
0x37: {  	v6 =	vmul.f32 v6, v3;
	_ =	sdelay $0x1  }
0x38: {  	v4 =	vadd.f32 v6, v4;
	_ =	sdelay $0x1  }
0x39: {  	v4 =	vadd.f32 $-1.000000000e+00, v4;
	_ =	sdelay $0x1  }
0x3a: {  	v47 =	vsub.f32 $0.0e+00, v4;
	_ =	sdelay $0x1  }
0x3b: {  	v6 =	vmul.f32 $1.442695020e+00, v47;
	_ =	sdelay $0x1  }
0x3c: {  	(erf) = vpow2.f32 v6;
	_ =	sdelay $0x3  }
0x3d: {  	v48 =	vld [tilespmem:$0x50A0];
	_ =	sdelay $0x4  }
0x3e: {  	v6 =	vadd.f32 $9.999999710e-10, v48;
	v7 =	vpop (erf)  }
0x3f: {  	v7 =	vmul.f32 v7, v3  }
0x40: {  	v8 =	vcvt.s32.f32 v6  }
0x41: {  	v4 =	vadd.f32 v7, v4  }
0x42: {  	v49 =	vadd.f32 $-1.064866820e+09, v8  }
0x43: {  	v4 =	vadd.f32 $-1.000000000e+00, v4  }
0x44: {  	v7 =	vmul.f32 $8.262958320e-08, v49  }
0x45: {  	v50 =	vsub.f32 $0.0e+00, v4  }
0x46: {  	v9 =	vsub.f32 $0.0e+00, v7  }
0x47: {  	v8 =	vmul.f32 $1.442695020e+00, v50  }
0x48: {  	v9 =	vmul.f32 $1.442695020e+00, v9  }
0x49: {  	(erf) = vpow2.f32 v8  }
0x4a: {  	(erf) = vpow2.f32 v9;
	_ =	sdelay $0x7  }
0x4b: {  	v8 =	vpop (erf)  }
0x4c: {  	v9 =	vpop (erf)  }
0x4d: {  	v9 =	vmul.f32 v9, v6;
	_ =	sdelay $0x1  }
0x4e: {  	v7 =	vadd.f32 v9, v7;
	_ =	sdelay $0x1  }
0x4f: {  	v7 =	vadd.f32 $-1.000000000e+00, v7;
	_ =	sdelay $0x1  }
0x50: {  	v51 =	vsub.f32 $0.0e+00, v7;
	_ =	sdelay $0x1  }
0x51: {  	v9 =	vmul.f32 $1.442695020e+00, v51;
	_ =	sdelay $0x1  }
0x52: {  	(erf) = vpow2.f32 v9;
	_ =	sdelay $0x3  }
0x53: {  	v52 =	vld [tilespmem:$0x50B0];
	_ =	sdelay $0x4  }
0x54: {  	v9 =	vadd.f32 $9.999999710e-10, v52;
	v10 =	vpop (erf)  }
0x55: {  	v10 =	vmul.f32 v10, v6  }
0x56: {  	v11 =	vcvt.s32.f32 v9  }
0x57: {  	v7 =	vadd.f32 v10, v7  }
0x58: {  	v53 =	vadd.f32 $-1.064866820e+09, v11  }
0x59: {  	v7 =	vadd.f32 $-1.000000000e+00, v7  }
0x5a: {  	v10 =	vmul.f32 $8.262958320e-08, v53  }
0x5b: {  	v54 =	vsub.f32 $0.0e+00, v7  }
0x5c: {  	v12 =	vsub.f32 $0.0e+00, v10  }
0x5d: {  	v11 =	vmul.f32 $1.442695020e+00, v54  }
0x5e: {  	v12 =	vmul.f32 $1.442695020e+00, v12  }
0x5f: {  	(erf) = vpow2.f32 v11  }
0x60: {  	(erf) = vpow2.f32 v12;
	_ =	sdelay $0x7  }
0x61: {  	v11 =	vpop (erf)  }
0x62: {  	v12 =	vpop (erf)  }
0x63: {  	v12 =	vmul.f32 v12, v9;
	_ =	sdelay $0x1  }
0x64: {  	v10 =	vadd.f32 v12, v10;
	_ =	sdelay $0x1  }
0x65: {  	v10 =	vadd.f32 $-1.000000000e+00, v10;
	_ =	sdelay $0x1  }
0x66: {  	v55 =	vsub.f32 $0.0e+00, v10;
	_ =	sdelay $0x1  }
0x67: {  	v12 =	vmul.f32 $1.442695020e+00, v55;
	_ =	sdelay $0x1  }
0x68: {  	(erf) = vpow2.f32 v12;
	_ =	sdelay $0x8  }
0x69: {  	v12 =	vpop (erf)  }
0x6a: {  	v12 =	vmul.f32 v12, v9;
	_ =	sdelay $0x1  }
0x6b: {  	v10 =	vadd.f32 v12, v10;
	_ =	sdelay $0x1  }
0x6c: {  	v10 =	vadd.f32 $-1.000000000e+00, v10;
	_ =	sdelay $0x1  }
0x6d: {  	v56 =	vsub.f32 $0.0e+00, v10;
	_ =	sdelay $0x1  }
0x6e: {  	v12 =	vmul.f32 $1.442695020e+00, v56;
	_ =	sdelay $0x1  }
0x6f: {  	(erf) = vpow2.f32 v12;
	_ =	sdelay $0x3  }
0x70: {  	v57 =	vld [tilespmem:s7+$0x3880]  }
0x71: {  	v1 =	vmul.f32 v5, v1  }
0x72: {  	v58 =	vld [tilespmem:s7+$0x3890];
	v3 =	vmul.f32 v8, v3  }
0x73: {  	v1 =	vadd.f32 v1, v2  }
0x74: {  	v2 =	vadd.f32 v3, v4;
	v3 =	vld [tilespmem:s7+$0x38A0];
	v59 =	vmul.f32 v11, v6  }
0x75: {  	vm0 =	vgt.f32 v57, $0.0e+00;
	v1 =	vadd.f32 $-1.000000000e+00, v1;
	v60 =	vpop (erf)  }
0x76: {  	v61 =	vld [tilespmem:s7+$0x38B0];
	v2 =	vadd.f32 $-1.000000000e+00, v2;
	v4 =	vadd.f32 v59, v7;
	v6 =	vmul.f32 v60, v9  }
0x77: {  	vm1 =	vgt.f32 v58, $0.0e+00;
	v1 =	vnsel vm0, $0x0, v1  }
0x78: {  	v2 =	vnsel vm1, $0x0, v2;
	v4 =	vadd.f32 $-1.000000000e+00, v4;
	v62 =	vadd.f32 v6, v10  }
0x79: {  	v1 =	vadd.f32 v2, v1;
	vm2 =	vgt.f32 v3, $0.0e+00  }
0x7a: {  	v63 =	vld [tilespmem:$0x3800];
	v2 =	vnsel vm2, $0x0, v4;
	v3 =	vadd.f32 $-1.000000000e+00, v62  }
0x7b: {  	vm3 =	vgt.f32 v61, $0.0e+00;
	v1 =	vadd.f32 v2, v1  }
0x7c: {  	v2 =	vnsel vm3, $0x0, v3  }
0x7d: {  	v1 =	vadd.f32 v2, v1;
	_ =	sdelay $0x1  }
0x7e: {  	v3 =	vsel vm1, $0x3F800000, v0;
	v2 =	vsel vm0, $0x3F800000, v0;
	v1 =	vsub.f32 v1, v63  }
0x7f: {  	v2 =	vadd.f32 v3, v2  }
0x80: {  	[tilespmem:$0x3800] =	vst v1;
	v1 =	vsel vm2, $0x3F800000, v0  }
0x81: {  	v1 =	vadd.f32 v1, v2;
	[hbm4b:s9+s2] =	stream.linear.scatter [tilespmem:s20], [sflag:$0x1], $0x80, $0x38;
	[tilespmem:$0x5180] =	vst v63  }
0x82: {  	v2 =	vsel vm3, $0x3F800000, v0;
	_ =	swait.ge [sflag:s12], $0x80  }
0x83: {  	s21 =	sadd.s32 $0x1, s21;
	v1 =	vadd.f32 v2, v1;
	[sflag:s12] =	ssyncset.done $0x0  }
0x84: {  	p2 =	sne.s32 s21, s11;
	[sflag:s12] =	ssyncadd.s32 $0xFFFFFF80  }
.Ltmp1:
0x85: {  	[tilespmem:$0x3800] =	vst v1;
	(pc) =	sbr.rel @!p2 .LBB2_12-.Ltmp1, $4  }
0x86: {  	[hbm4b:s10+s2] =	stream.linear.scatter [tilespmem:s20], [sflag:$0x1], $0x80, $0x38;
	[tilespmem:$0x5180] =	vst v63  }
0x87: {  	_ =	swait.ge [sflag:s12], $0x80  }
0x88: {  	[sflag:s12] =	ssyncset.done $0x0  }
0x89: {  	[sflag:s12] =	ssyncadd.s32 $0xFFFFFF80  }
.LBB2_1:
0x8a: {  	[tilespmem:s2], [sflag:$0x1] =	stream.linear.gather [hbm4b:s4+s2], $0x1000, $0x38;
	[tilespmem:$0x5180] =	vst v63  }
0x8b: {  	_ =	swait.ge [sflag:s12], $0x1000  }
0x8c: {  	[sflag:s12] =	ssyncset.done $0x0  }
0x8d: {  	[sflag:s12] =	ssyncadd.s32 $0xFFFFF000  }
0x8e: {  	[tilespmem:s13], [sflag:$0x1] =	stream.linear.gather [hbm4b:s5+s2], $0x1000, $0x38;
	[tilespmem:$0x5180] =	vst v63  }
0x8f: {  	_ =	swait.ge [sflag:s12], $0x1000  }
0x90: {  	[sflag:s12] =	ssyncset.done $0x0  }
0x91: {  	[sflag:s12] =	ssyncadd.s32 $0xFFFFF000  }
0x92: {  	[tilespmem:s14], [sflag:$0x1] =	stream.linear.gather [hbm4b:s6+s2], $0x1000, $0x38;
	[tilespmem:$0x5180] =	vst v63  }
0x93: {  	_ =	swait.ge [sflag:s12], $0x1000  }
0x94: {  	[sflag:s12] =	ssyncset.done $0x0  }
.Ltmp2:
0x95: {  	[sflag:s12] =	ssyncadd.s32 $0xFFFFF000;
	(pc) =	sbr.rel @p1 .LBB2_5-.Ltmp2, $4  }
0x96: {  	[tilespmem:s15], [sflag:$0x1] =	stream.linear.gather [hbm4b:s3+s2], $0x1000, $0x38;
	[tilespmem:$0x5180] =	vst v63  }
0x97: {  	_ =	swait.ge [sflag:s12], $0x1000  }
0x98: {  	[sflag:s12] =	ssyncset.done $0x0  }
0x99: {  	[sflag:s12] =	ssyncadd.s32 $0xFFFFF000  }
0x9a: {  	s22 =	simm.s32 $0x40;
	s23 =	simm.s32 $0x0  }
.LBB2_3:
0x9b: {  	p2 =	sne.s32 s22, $0x1FC0;
	[tilespmem:s23+$0x3000] =	vst v0;
	s23 =	smov.u32 s22;
	s22 =	sadd.s32 $0x40, s22  }
.Ltmp3:
0x9c: {  	(pc) =	sbr.rel @p2 .LBB2_3-.Ltmp3, $2  }
0x9d: {  	_ =	sdelay $0x2  }
0x9e: {  	s23 =	sshra.s32 s23, $0x2  }
0x9f: {  	[tilespmem:s23+$0x3000] =	vst v0  }
0xa0: {  	[spmem:s1] =	stream.linear.scatter [tilespmem:s16], [sflag:$0x1], $0x800, $0x38;
	[tilespmem:$0x5180] =	vst v63  }
0xa1: {  	_ =	swait.ge [sflag:s12], $0x800  }
0xa2: {  	[sflag:s12] =	ssyncset.done $0x0  }
0xa3: {  	[sflag:s12] =	ssyncadd.s32 $0xFFFFF800  }
.LBB2_5:
0xa4: {  	s22 =	simm.s32 $0x0  }
0xa5: {  	s23 =	sand.u32 $0x70, s22;
	s22 =	sand.u32 $0xF00, s22  }
0xa6: {  	s22 =	sor.u32 s23, s22  }
0xa7: {  	v1 =	vld [tilespmem:s22+$0x4100]  }
0xa8: {  	v2 =	vld [tilespmem:s22+$0x4080];
	_ =	sdelay $0x4  }
0xa9: {  	s24 =	simm.s32 $0x10;
	s23 =	simm.s32 $0x20;
	v1 =	vadd.f32 v1, v2  }
0xaa: {  	s24 =	sand.u32 $0x70, s24;
	s22 =	simm.s32 $0x3880;
	s25 =	sand.u32 $0xF00, s23  }
0xab: {  	s25 =	sor.u32 s24, s25;
	s24 =	simm.s32 $0x20;
	[tilespmem:s22+$0x0] =	vst v1  }
.LBB2_6:
0xac: {  	p2 =	sne.s32 s24, $0x7F0;
	v1 =	vld [tilespmem:s25+$0x4100]  }
0xad: {  	v2 =	vld [tilespmem:s25+$0x4080];
	_ =	sdelay $0x2  }
.Ltmp4:
0xae: {  	(pc) =	sbr.rel @p2 .LBB2_6-.Ltmp4, $4  }
0xaf: {  	_ = 	snop  }
0xb0: {  	s23 =	sadd.s32 $0x20, s23;
	v1 =	vadd.f32 v1, v2  }
0xb1: {  	s22 =	sadd.s32 $0x10, s22;
	s25 =	sand.u32 $0x70, s24;
	s26 =	sand.u32 $0xF00, s23  }
0xb2: {  	s24 =	sadd.s32 $0x10, s24;
	s25 =	sor.u32 s25, s26;
	[tilespmem:s22+$0x0] =	vst v1  }
0xb3: {  	v1 =	vld [tilespmem:s25+$0x4100]  }
0xb4: {  	v2 =	vld [tilespmem:s25+$0x4080];
	_ =	sdelay $0x4  }
0xb5: {  	v1 =	vadd.f32 v1, v2  }
0xb6: {  	s22 =	sadd.s32 $0x10, s22  }
0xb7: {  	[tilespmem:s22+$0x0] =	vst v1  }
0xb8: {  	s31 =	simm.s32 $0x0;
	s23 =	simm.s32 $0x2000;
	[bflag:$0x0] =	sbarrier.arrive $0xFFFF  }
0xb9: {  	[spmem:s1] =	stream.indirect.scatter.add.f32 [tilespmem:s31], [sflag:$0x1], $0x1, s23, s17, $0xb8;
	[tilespmem:$0x5180] =	vst v63  }
0xba: {  	s22 =	simm.s32 $0x200;
	_ =	swait.ge [sflag:s12], $0x80  }
.LBB2_8:
0xbb: {  	s23 =	sshra.s32 s22, $0x2;
	[sflag:s12] =	ssyncset.done $0x0;
	p2 =	sne.s32 s22, $0x3E00  }
.Ltmp5:
0xbc: {  	s24 =	sadd.s32 $0x2000, s23;
	[sflag:s12] =	ssyncadd.s32 $0xFFFFFF80;
	(pc) =	sbr.rel @p2 .LBB2_8-.Ltmp5, $3  }
0xbd: {  	[spmem:s1] =	stream.indirect.scatter.add.f32 [tilespmem:s23], [sflag:$0x1], $0x1, s24, s17, $0xb8;
	[tilespmem:$0x5180] =	vst v63  }
0xbe: {  	s22 =	sadd.s32 $0x200, s22;
	_ =	sdelay $0x1  }
0xbf: {  	_ =	swait.ge [sflag:s12], $0x80  }
.Ltmp6:
0xc0: {  	(pc) =	sbr.rel @!p0 .LBB2_11-.Ltmp6, $4  }
0xc1: {  	_ = 	snop  }
0xc2: {  	[sflag:s12] =	ssyncset.done $0x0  }
0xc3: {  	v1 =	vimm.f32 $0.0e+00;
	[sflag:s12] =	ssyncadd.s32 $0xFFFFFF80  }
0xc4: {  	s22 =	simm.s32 $0x0;
	[tilespmem:$0x3800] =	vst v1  }
.LBB2_10:
0xc5: {  	s23 =	sshra.s32 s22, $0x2  }
0xc6: {  	v2 =	vld [tilespmem:s23+$0x2000];
	_ =	sdelay $0x7  }
0xc7: {  	v2 =	vld.idx.msk [tilespmem:v2+s18+$0x0], $0xffff;
	_ =	sdelay $0x4  }
0xc8: {  	v2 =	vadd.f32 $9.999999710e-10, v2;
	_ =	sdelay $0x1  }
0xc9: {  	(erf) = vrcp.f32 v2;
	_ =	sdelay $0x4  }
0xca: {  	v2 =	vld [tilespmem:s23+$0x1000];
	_ =	sdelay $0x3  }
0xcb: {  	v3 =	vpop (erf)  }
0xcc: {  	v2 =	vmul.f32 v3, v2;
	_ =	sdelay $0x1  }
0xcd: {  	v1 =	vadd.f32 v2, v1;
	_ =	sdelay $0x1  }
0xce: {  	[tilespmem:$0x3800] =	vst v1  }
0xcf: {  	v2 =	vld [tilespmem:s23+$0x2010];
	_ =	sdelay $0x7  }
0xd0: {  	v2 =	vld.idx.msk [tilespmem:v2+s18+$0x0], $0xffff;
	_ =	sdelay $0x4  }
0xd1: {  	v2 =	vadd.f32 $9.999999710e-10, v2;
	_ =	sdelay $0x1  }
0xd2: {  	(erf) = vrcp.f32 v2;
	_ =	sdelay $0x4  }
0xd3: {  	v2 =	vld [tilespmem:s23+$0x1010];
	_ =	sdelay $0x3  }
0xd4: {  	v3 =	vpop (erf)  }
0xd5: {  	v2 =	vmul.f32 v3, v2;
	_ =	sdelay $0x1  }
0xd6: {  	v1 =	vadd.f32 v2, v1;
	_ =	sdelay $0x1  }
0xd7: {  	[tilespmem:$0x3800] =	vst v1  }
0xd8: {  	v2 =	vld [tilespmem:s23+$0x2020];
	_ =	sdelay $0x7  }
0xd9: {  	v2 =	vld.idx.msk [tilespmem:v2+s18+$0x0], $0xffff;
	_ =	sdelay $0x4  }
0xda: {  	v2 =	vadd.f32 $9.999999710e-10, v2;
	_ =	sdelay $0x1  }
0xdb: {  	(erf) = vrcp.f32 v2;
	_ =	sdelay $0x4  }
0xdc: {  	v2 =	vld [tilespmem:s23+$0x1020];
	_ =	sdelay $0x3  }
0xdd: {  	v3 =	vpop (erf)  }
0xde: {  	v2 =	vmul.f32 v3, v2;
	_ =	sdelay $0x1  }
0xdf: {  	v1 =	vadd.f32 v2, v1;
	_ =	sdelay $0x1  }
0xe0: {  	[tilespmem:$0x3800] =	vst v1  }
0xe1: {  	v2 =	vld [tilespmem:s23+$0x2030];
	_ =	sdelay $0x7  }
0xe2: {  	v2 =	vld.idx.msk [tilespmem:v2+s18+$0x0], $0xffff;
	_ =	sdelay $0x4  }
0xe3: {  	v2 =	vadd.f32 $9.999999710e-10, v2;
	_ =	sdelay $0x1  }
0xe4: {  	(erf) = vrcp.f32 v2;
	_ =	sdelay $0x4  }
0xe5: {  	v2 =	vld [tilespmem:s23+$0x1030];
	_ =	sdelay $0x3  }
0xe6: {  	v3 =	vpop (erf)  }
0xe7: {  	v2 =	vmul.f32 v3, v2;
	_ =	sdelay $0x1  }
0xe8: {  	v1 =	vadd.f32 v2, v1;
	_ =	sdelay $0x1  }
0xe9: {  	[tilespmem:$0x3800] =	vst v1  }
0xea: {  	v2 =	vld [tilespmem:s23+$0x2040];
	_ =	sdelay $0x7  }
0xeb: {  	v2 =	vld.idx.msk [tilespmem:v2+s18+$0x0], $0xffff;
	_ =	sdelay $0x4  }
0xec: {  	v2 =	vadd.f32 $9.999999710e-10, v2;
	_ =	sdelay $0x1  }
0xed: {  	(erf) = vrcp.f32 v2;
	_ =	sdelay $0x4  }
0xee: {  	v2 =	vld [tilespmem:s23+$0x1040];
	_ =	sdelay $0x3  }
0xef: {  	v3 =	vpop (erf)  }
0xf0: {  	v2 =	vmul.f32 v3, v2;
	_ =	sdelay $0x1  }
0xf1: {  	v1 =	vadd.f32 v2, v1;
	_ =	sdelay $0x1  }
0xf2: {  	[tilespmem:$0x3800] =	vst v1  }
0xf3: {  	v2 =	vld [tilespmem:s23+$0x2050];
	_ =	sdelay $0x7  }
0xf4: {  	v2 =	vld.idx.msk [tilespmem:v2+s18+$0x0], $0xffff;
	_ =	sdelay $0x4  }
0xf5: {  	v2 =	vadd.f32 $9.999999710e-10, v2;
	_ =	sdelay $0x1  }
0xf6: {  	(erf) = vrcp.f32 v2;
	_ =	sdelay $0x4  }
0xf7: {  	v2 =	vld [tilespmem:s23+$0x1050];
	_ =	sdelay $0x3  }
0xf8: {  	v3 =	vpop (erf)  }
0xf9: {  	v2 =	vmul.f32 v3, v2;
	_ =	sdelay $0x1  }
0xfa: {  	v1 =	vadd.f32 v2, v1;
	_ =	sdelay $0x1  }
0xfb: {  	[tilespmem:$0x3800] =	vst v1  }
0xfc: {  	v2 =	vld [tilespmem:s23+$0x2060];
	_ =	sdelay $0x7  }
0xfd: {  	v2 =	vld.idx.msk [tilespmem:v2+s18+$0x0], $0xffff;
	_ =	sdelay $0x4  }
0xfe: {  	v2 =	vadd.f32 $9.999999710e-10, v2;
	_ =	sdelay $0x1  }
0xff: {  	(erf) = vrcp.f32 v2;
	_ =	sdelay $0x4  }
0x100: {  	v2 =	vld [tilespmem:s23+$0x1060];
	_ =	sdelay $0x3  }
0x101: {  	v3 =	vpop (erf)  }
0x102: {  	v2 =	vmul.f32 v3, v2;
	_ =	sdelay $0x1  }
0x103: {  	v1 =	vadd.f32 v2, v1;
	_ =	sdelay $0x1  }
0x104: {  	[tilespmem:$0x3800] =	vst v1  }
0x105: {  	v2 =	vld [tilespmem:s23+$0x2070];
	_ =	sdelay $0x7  }
0x106: {  	v2 =	vld.idx.msk [tilespmem:v2+s18+$0x0], $0xffff;
	_ =	sdelay $0x4  }
0x107: {  	v2 =	vadd.f32 $9.999999710e-10, v2;
	_ =	sdelay $0x1  }
0x108: {  	(erf) = vrcp.f32 v2;
	_ =	sdelay $0x4  }
0x109: {  	v2 =	vld [tilespmem:s23+$0x1070];
	_ =	sdelay $0x3  }
0x10a: {  	p2 =	sne.s32 s22, $0x3E00;
	v3 =	vpop (erf)  }
.Ltmp7:
0x10b: {  	v2 =	vmul.f32 v3, v2;
	(pc) =	sbr.rel @p2 .LBB2_10-.Ltmp7, $3  }
0x10c: {  	_ = 	snop  }
0x10d: {  	v1 =	vadd.f32 v2, v1;
	_ =	sdelay $0x1  }
0x10e: {  	s22 =	sadd.s32 $0x200, s22;
	[tilespmem:$0x3800] =	vst v1  }
.Ltmp8:
0x10f: {  	_ = 	snop;
	(pc) =	sbr.rel .LBB2_11-.Ltmp8, $1  }
0x110: {  	_ =	sdelay $0x3  }
.LBB2_12:
0x111: {  	_ =	sfence.sel $0x180000  }
0x112: {  	[bflag:$0x0] =	sbarrier.arrive $0xFFFF  }
0x113: {  	_ =	strace $0x9000004A  }
0x114: {  	s0 =	sadd.s32 @!p1 $0x100000, s0;
	[bflag:$0x2] =	sbarrier.arrive $0xFFFF  }
0x115: {  	[sflag:s0] =	ssyncadd.tile.s32 @!p1 $0x1;
	_ =	shalt  }
.Lfunc_end2:
_tile_overlayer_lowered:
.L_overlay_start_2:
0x116: {  	(tag) =	ssettag $0x2  }
0x117: {  	s0 =	rddreg [dreg:$0x0];
	s2 =	stileid.u32  }
0x118: {  	s1 =	rddreg [dreg:$0x1];
	p0 =	sne.s32 s2, $0x0  }
0x119: {  	s3 =	rddreg [dreg:$0x2];
	[bflag:$0x3] =	sbarrier.arrive $0xFFFF;
	s2 =	simm.s32 @!p0 $0x1C01  }
0x11a: {  	[timem:s3], [sflag:s2] =	dma.local @!p0 [hbm:s0], s1  }
0x11b: {  	s0 =	simm.s32 @!p0 $0x1  }
0x11c: {  	_ =	swait.ge @!p0 [sflag:s0], s1  }
0x11d: {  	s1 =	ssub.s32 @!p0 $0x0, s1;
	[sflag:s0] =	ssyncset.done @!p0 $0x0  }
0x11e: {  	[sflag:s0] =	ssyncadd.s32 @!p0 s1  }
0x11f: {  	[bflag:$0x3] =	sbarrier.arrive $0xFFFF  }
0x120: {  	_ =	shalt  }

</sc_bundles>
